<compile_context>
chip_gen: v7x
topology: tpu7x:2x2x1
jax: 0.10.2.dev20260603
libtpu: 0.0.44.dev20260713+nightly
codegen_flags: <defaults>
</compile_context>

<pallas_src>
import functools

import jax
import jax.numpy as jnp
from jax import lax
from jax.experimental import pallas as pl
from jax.experimental.pallas import tpu as pltpu
from jax.experimental.pallas import tpu_sc as plsc

B = 8
N = 2048
K = 20
CIN = 3
CP = 16
KTOP = 2 * K
ROWT = 512
EPS = 1e-5
NEG = float("-inf")

SC_NC = 2
SC_NS = 16
SC_NW = SC_NC * SC_NS
GCHUNK = 128
GB = 16
TOTAL_IDX = 2 * B * N * K
IDX_ROWS = TOTAL_IDX // GCHUNK
ROWS_PER_W = IDX_ROWS // SC_NW


def _topk_body(x8_ref, xt_ref, out_ref):
    xt = xt_ref[0]
    x0 = x8_ref[0, 0:1, :]
    x1 = x8_ref[0, 1:2, :]
    x2 = x8_ref[0, 2:3, :]

    xx_col = (x0 * x0 + x1 * x1) + x2 * x2
    t0 = xt[:, 0:1]
    t1 = xt[:, 1:2]
    t2 = xt[:, 2:3]
    xx_row = (t0 * t0 + t1 * t1) + t2 * t2
    def b16(v):
        return v.astype(jnp.bfloat16).astype(jnp.float32)
    g = (b16(t0) * b16(x0) + b16(t1) * b16(x1)) + b16(t2) * b16(x2)
    d = (-xx_col + 2.0 * g) - xx_row

    lanes = lax.broadcasted_iota(jnp.int32, (ROWT, N), 1)
    lanes40 = lax.broadcasted_iota(jnp.int32, (ROWT, KTOP), 1)
    acc0 = jnp.zeros((ROWT, KTOP), jnp.int32)

    def step(t, carry):
        dcur, acc = carry
        m = jnp.max(dcur, axis=1, keepdims=True)
        j = jnp.min(jnp.where(dcur == m, lanes, N), axis=1,
                    keepdims=True)
        acc = jnp.where(lanes40 == t, j, acc)
        dcur = jnp.where(lanes == j, NEG, dcur)
        return dcur, acc

    _, acc = lax.fori_loop(0, KTOP, step, (d, acc0))
    out_ref[0] = acc


def _topk40(x8, xt16):
    return pl.pallas_call(
        _topk_body,
        grid=(B, N // ROWT),
        in_specs=[
            pl.BlockSpec((1, 8, N), lambda b, i: (b, 0, 0)),
            pl.BlockSpec((1, ROWT, CP), lambda b, i: (b, i, 0)),
        ],
        out_specs=pl.BlockSpec((1, ROWT, KTOP), lambda b, i: (b, i, 0)),
        out_shape=jax.ShapeDtypeStruct((B, N, KTOP), jnp.int32),
    )(x8, xt16)


def _sc_gather(table, idx2d):
    mesh = plsc.VectorSubcoreMesh(core_axis_name="c", subcore_axis_name="s")

    @functools.partial(
        pl.kernel,
        mesh=mesh,
        compiler_params=pltpu.CompilerParams(use_tc_tiling_on_sc=False),
        out_type=jax.ShapeDtypeStruct((TOTAL_IDX, CP), jnp.float32),
        scratch_types=[
            pltpu.VMEM((ROWS_PER_W, GCHUNK), jnp.int32),
            pltpu.VMEM((GB * GCHUNK, CP), jnp.float32),
            pltpu.SemaphoreType.DMA,
        ],
    )
    def gk(table_hbm, idx_hbm, out_hbm, idx_v, rows_v, sem):
        wid = lax.axis_index("s") * SC_NC + lax.axis_index("c")
        base = wid * ROWS_PER_W
        pltpu.sync_copy(idx_hbm.at[pl.ds(base, ROWS_PER_W)], idx_v)

        def body(o, _):
            for b in range(GB):
                pltpu.async_copy(table_hbm.at[idx_v.at[o * GB + b]],
                                 rows_v.at[pl.ds(b * GCHUNK, GCHUNK)], sem)
            for b in range(GB):
                pltpu.make_async_copy(
                    table_hbm.at[idx_v.at[o * GB + b]],
                    rows_v.at[pl.ds(b * GCHUNK, GCHUNK)], sem).wait()
            pltpu.sync_copy(
                rows_v,
                out_hbm.at[pl.ds((base + o * GB) * GCHUNK, GB * GCHUNK)])
            return 0

        lax.fori_loop(0, ROWS_PER_W // GB, body, 0)

    return gk(table, idx2d)


def _pair_sum(v, axis):
    if axis == 1:
        left = jnp.concatenate([v[:, 1:], v[:, :1]], axis=1)
        right = jnp.concatenate([v[:, -1:], v[:, :-1]], axis=1)
    else:
        left = jnp.concatenate([v[1:, :], v[:1, :]], axis=0)
        right = jnp.concatenate([v[-1:, :], v[:-1, :]], axis=0)
    even = lax.broadcasted_iota(jnp.int32, v.shape, axis) % 2 == 0
    return v + jnp.where(even, left, right)


def _gn_lrelu(h, gamma, beta):
    n = h.shape[0] * 2
    s = jnp.sum(h, axis=0, keepdims=True)
    ss = jnp.sum(h * h, axis=0, keepdims=True)
    sg = _pair_sum(s, 1)
    ssg = _pair_sum(ss, 1)
    mean = sg / n
    var = ssg / n - mean * mean
    inv = lax.rsqrt(var + EPS)
    scale = gamma * inv
    shift = beta - mean * scale
    z = h * scale + shift
    return jnp.where(z >= 0, z, 0.2 * z)


def _fold512(v):
    v = v[:, :256] + v[:, 256:]
    v = v[:, :128] + v[:, 128:]
    return v[:, :64] + v[:, 64:]


def _tile8(v):
    return jnp.concatenate([v] * 8, axis=1)


def _gn_lrelu_packed(h, gamma, beta, nrows):
    n = nrows * 2
    s = _fold512(jnp.sum(h, axis=0, keepdims=True))
    ss = _fold512(jnp.sum(h * h, axis=0, keepdims=True))
    sg = _pair_sum(s, 1)
    ssg = _pair_sum(ss, 1)
    mean = sg / n
    var = ssg / n - mean * mean
    inv = lax.rsqrt(var + EPS)
    scale = gamma * inv
    shift = beta - mean * scale
    z = h * _tile8(scale) + _tile8(shift)
    return jnp.where(z >= 0, z, 0.2 * z)


NP = N // 8
RP = K * NP


def _branch_body(gath_ref, xta_ref, xtb_ref, w1_ref, w2_ref, wcat_ref,
                 gnp_ref, se1_ref, se2_ref, out_ref):
    g = gath_ref[0, 0]
    xa = xta_ref[0]
    xb = xtb_ref[0]

    e = (g.reshape(K, NP, 128) - xa[None] + xb[None]).reshape(RP, 128)
    h = jnp.dot(e, w1_ref[0], preferred_element_type=jnp.float32)
    h = _gn_lrelu_packed(h, gnp_ref[0, 0:1, :], gnp_ref[0, 1:2, :], K * N)
    h = jnp.dot(h, w2_ref[0], preferred_element_type=jnp.float32)
    h = _gn_lrelu_packed(h, gnp_ref[0, 2:3, :], gnp_ref[0, 3:4, :], K * N)

    h3 = h.reshape(K, NP, 512)
    mx = jnp.max(h3, axis=0)
    mn = jnp.sum(h3, axis=0) / K
    cat = jnp.concatenate([mx, mn], axis=1)
    c = jnp.dot(cat, wcat_ref[0], preferred_element_type=jnp.float32)
    c = _gn_lrelu_packed(c, gnp_ref[0, 4:5, :], gnp_ref[0, 5:6, :], N)

    y = _fold512(jnp.sum(c, axis=0, keepdims=True)) / N
    y1 = jax.nn.relu(lax.dot_general(y, se1_ref[0], (((1,), (1,)), ((), ())),
                                     preferred_element_type=jnp.float32))
    y2 = jax.nn.sigmoid(lax.dot_general(y1, se2_ref[0],
                                        (((1,), (1,)), ((), ())),
                                        preferred_element_type=jnp.float32))
    out_ref[0, 0] = c * _tile8(y2)


def _branches(gath, xta, xtb, w1s, w2s, wcats, gnps, se1s, se2s):
    return pl.pallas_call(
        _branch_body,
        grid=(2, B),
        in_specs=[
            pl.BlockSpec((1, 1, RP, 128), lambda r, b: (r, b, 0, 0)),
            pl.BlockSpec((1, NP, 128), lambda r, b: (b, 0, 0)),
            pl.BlockSpec((1, NP, 128), lambda r, b: (b, 0, 0)),
            pl.BlockSpec((1, 128, 512), lambda r, b: (r, 0, 0)),
            pl.BlockSpec((1, 512, 512), lambda r, b: (r, 0, 0)),
            pl.BlockSpec((1, 1024, 512), lambda r, b: (r, 0, 0)),
            pl.BlockSpec((1, 6, 64), lambda r, b: (r, 0, 0)),
            pl.BlockSpec((1, 4, 64), lambda r, b: (r, 0, 0)),
            pl.BlockSpec((1, 64, 4), lambda r, b: (r, 0, 0)),
        ],
        out_specs=pl.BlockSpec((1, 1, NP, 512), lambda r, b: (r, b, 0, 0)),
        out_shape=jax.ShapeDtypeStruct((2, B, NP, 512), jnp.float32),
    )(gath, xta, xtb, w1s, w2s, wcats, gnps, se1s, se2s)


def _final_body(b1_ref, b2_ref, wadd_ref, g_ref, bb_ref, out_ref):
    cat = jnp.concatenate([b1_ref[0, 0], b2_ref[0, 0]], axis=1)
    z = jnp.dot(cat, wadd_ref[...],
                preferred_element_type=jnp.float32)
    out_ref[0] = _gn_lrelu_packed(z, g_ref[...], bb_ref[...], N)


def _final(bout, waddbig, gg, gb):
    return pl.pallas_call(
        _final_body,
        grid=(B,),
        in_specs=[
            pl.BlockSpec((1, 1, NP, 512), lambda b: (0, b, 0, 0)),
            pl.BlockSpec((1, 1, NP, 512), lambda b: (1, b, 0, 0)),
            pl.BlockSpec((1024, 512), lambda b: (0, 0)),
            pl.BlockSpec((1, 64), lambda b: (0, 0)),
            pl.BlockSpec((1, 64), lambda b: (0, 0)),
        ],
        out_specs=pl.BlockSpec((1, NP, 512), lambda b: (b, 0, 0)),
        out_shape=jax.ShapeDtypeStruct((B, NP, 512), jnp.float32),
    )(bout, bout, waddbig, gg, gb)


def kernel(x, params):
    p = params
    xt = jnp.transpose(x, (0, 2, 1))
    xta = jnp.pad(xt, ((0, 0), (0, 0), (0, CP - CIN)))
    xtb = jnp.pad(xt, ((0, 0), (0, 0), (CIN, CP - 2 * CIN)))
    x8 = jnp.pad(x, ((0, 0), (0, 8 - CIN), (0, 0)))

    idx40 = _topk40(x8, xta)

    sel = jax.random.permutation(jax.random.key(42), KTOP)[:K]
    b1 = jnp.take(idx40, sel, axis=2)
    b2 = idx40[:, :, :K]
    allk = jnp.stack([b1, b2])
    allk = jnp.transpose(allk, (0, 1, 3, 2))
    allk = allk + (jnp.arange(B, dtype=jnp.int32) * N)[None, :, None, None]
    idx2d = allk.reshape(IDX_ROWS, GCHUNK)

    table = xta.reshape(B * N, CP)
    gath = _sc_gather(table, idx2d).reshape(2, B, RP, 128)

    eye8 = jnp.eye(8, dtype=jnp.float32)

    def big(w):
        return jnp.kron(eye8, w)

    w1s = jnp.stack([
        big(jnp.pad(p["conv1_w"].T, ((0, CP - 6), (0, 0)))),
        big(jnp.pad(p["conv1_2_w"].T, ((0, CP - 6), (0, 0)))),
    ])
    w2s = jnp.stack([big(p["conv2_w"].T), big(p["conv2_2_w"].T)])

    def catbig(w):
        return jnp.concatenate([big(w[:, :64].T), big(w[:, 64:].T)], axis=0)

    wcats = jnp.stack([catbig(p["conv_cat_w"]), catbig(p["conv_cat2_w"])])
    gnps = jnp.stack([
        jnp.stack([p["gn1_g"], p["gn1_b"], p["gn2_g"], p["gn2_b"],
                   p["gncat_g"], p["gncat_b"]]),
        jnp.stack([p["gn1_2_g"], p["gn1_2_b"], p["gn2_2_g"], p["gn2_2_b"],
                   p["gncat2_g"], p["gncat2_b"]]),
    ])
    se1s = jnp.stack([p["se1_w1"], p["se1_2_w1"]])
    se2s = jnp.stack([p["se1_w2"], p["se1_2_w2"]])

    xta_p = xta.reshape(B, NP, 128)
    xtb_p = xtb.reshape(B, NP, 128)
    bout = _branches(gath, xta_p, xtb_p, w1s, w2s, wcats, gnps, se1s, se2s)

    out_p = _final(bout, catbig(p["conv_add1_w"]),
                   p["gnadd1_g"].reshape(1, 64), p["gnadd1_b"].reshape(1, 64))
    return out_p.reshape(B, NP, 8, 64).transpose(0, 3, 1, 2).reshape(B, 64, N)

# --- scband reference (transcript-rebuilt; emitter-appended) ---
"""Pipeline reference for scband-edge-conv2-85495618994322 (READ-ONLY COPY).

The authoritative reference and input builder live on the scoring server;
editing this copy changes nothing except your own understanding.
"""

import jax, jax.numpy as jnp
import numpy as np

K = 20

def knn_idx(x, k):
    inner = -2.0 * jnp.einsum('bcn,bcm->bnm', x, x)
    xx = jnp.sum(x ** 2, axis=1, keepdims=True)
    pd = -xx - inner - jnp.swapaxes(xx, 1, 2)
    _, idx = jax.lax.top_k(pd, k)
    return idx

def knn_dilate_idx(x, k):
    idx = knn_idx(x, 2 * k)
    sel = jax.random.permutation(jax.random.key(42), 2 * k)[:k]
    return idx[:, :, sel]

def get_graph_feature(x, k, dilation):
    B, C, N = x.shape
    idx = knn_dilate_idx(x, k) if dilation else knn_idx(x, k)
    xt = jnp.transpose(x, (0, 2, 1))
    feature = xt[jnp.arange(B)[:, None, None], idx]
    xrep = jnp.broadcast_to(xt[:, :, None, :], (B, N, k, C))
    f = jnp.concatenate([feature - xrep, xrep], axis=3)
    return jnp.transpose(f, (0, 3, 1, 2))

def group_norm(x, gamma, beta, groups=32, eps=1e-5):
    B, C = x.shape[0], x.shape[1]
    rest = x.shape[2:]
    xr = x.reshape((B, groups, C // groups) + rest)
    axes = tuple(range(2, xr.ndim))
    mean = jnp.mean(xr, axis=axes, keepdims=True)
    var = jnp.var(xr, axis=axes, keepdims=True)
    xn = ((xr - mean) / jnp.sqrt(var + eps)).reshape(x.shape)
    shp = (1, C) + (1,) * len(rest)
    return xn * gamma.reshape(shp) + beta.reshape(shp)

def block(x, W, g, b):
    out = jnp.einsum('oc,bc...->bo...', W, x)
    out = group_norm(out, g, b)
    return jax.nn.leaky_relu(out, negative_slope=0.2)

def se_block(x, w1, w2):
    y = jnp.mean(x, axis=-1)
    y = jax.nn.relu(y @ w1.T)
    y = jax.nn.sigmoid(y @ w2.T)
    return x * y[:, :, None]

def _forward(x, p):
    x1 = get_graph_feature(x, K, True)
    x1 = block(x1, p['conv1_w'], p['gn1_g'], p['gn1_b'])
    x1 = block(x1, p['conv2_w'], p['gn2_g'], p['gn2_b'])
    x1 = jnp.concatenate([jnp.max(x1, axis=-1), jnp.mean(x1, axis=-1)], axis=1)
    x1 = block(x1, p['conv_cat_w'], p['gncat_g'], p['gncat_b'])
    x1 = se_block(x1, p['se1_w1'], p['se1_w2'])
    x2 = get_graph_feature(x, K, False)
    x2 = block(x2, p['conv1_2_w'], p['gn1_2_g'], p['gn1_2_b'])
    x2 = block(x2, p['conv2_2_w'], p['gn2_2_g'], p['gn2_2_b'])
    x1_2 = jnp.concatenate([jnp.max(x2, axis=-1), jnp.mean(x2, axis=-1)], axis=1)
    x1_2 = block(x1_2, p['conv_cat2_w'], p['gncat2_g'], p['gncat2_b'])
    x1_2 = se_block(x1_2, p['se1_2_w1'], p['se1_2_w2'])
    x1 = jnp.concatenate([x1, x1_2], axis=1)
    x1 = block(x1, p['conv_add1_w'], p['gnadd1_g'], p['gnadd1_b'])
    return x1

def setup_inputs(seed: int = 0):
    key = jax.random.key(seed)
    ks = jax.random.split(key, 16)
    x = jax.random.normal(ks[0], (8, 3, 2048), dtype=jnp.float32)
    p = {}
    p['conv1_w'] = jax.random.normal(ks[1], (64, 6), dtype=jnp.float32) * 0.2
    p['conv2_w'] = jax.random.normal(ks[2], (64, 64), dtype=jnp.float32) * 0.1
    p['conv1_2_w'] = jax.random.normal(ks[3], (64, 6), dtype=jnp.float32) * 0.2
    p['conv2_2_w'] = jax.random.normal(ks[4], (64, 64), dtype=jnp.float32) * 0.1
    p['conv_cat_w'] = jax.random.normal(ks[5], (64, 128), dtype=jnp.float32) * 0.08
    p['conv_cat2_w'] = jax.random.normal(ks[6], (64, 128), dtype=jnp.float32) * 0.08
    p['conv_add1_w'] = jax.random.normal(ks[7], (64, 128), dtype=jnp.float32) * 0.08
    for name in ['gn1', 'gn2', 'gn1_2', 'gn2_2', 'gncat', 'gncat2', 'gnadd1']:
        p[name + '_g'] = jnp.ones((64,), dtype=jnp.float32)
        p[name + '_b'] = jnp.zeros((64,), dtype=jnp.float32)
    p['se1_w1'] = jax.random.normal(ks[8], (4, 64), dtype=jnp.float32) * 0.1
    p['se1_w2'] = jax.random.normal(ks[9], (64, 4), dtype=jnp.float32) * 0.1
    p['se1_2_w1'] = jax.random.normal(ks[10], (4, 64), dtype=jnp.float32) * 0.1
    p['se1_2_w2'] = jax.random.normal(ks[11], (64, 4), dtype=jnp.float32) * 0.1
    return {'x': x, 'params': p}

def reference(x, params):
    return _forward(x, params)

if __name__ == "__main__":
    import jax
    _d = setup_inputs()
    print(jax.jit(kernel)(*tuple(_d.values())))

</pallas_src>

<mosaic_0001>
#map = affine_map<(d0, d1) -> (0, 0)>
module attributes {stable_mosaic.version = 14 : i64} {
  func.func @gk(%arg0: i32, %arg1: i32, %arg2: memref<16384x16xf32, #tpu.memory_space<hbm>>, %arg3: memref<5120x128xi32, #tpu.memory_space<hbm>>, %arg4: memref<655360x16xf32, #tpu.memory_space<hbm>>, %arg5: memref<160x128xi32, #tpu.memory_space<vmem>>, %arg6: memref<2048x16xf32, #tpu.memory_space<vmem>>, %arg7: memref<!tpu.dma_semaphore, #tpu.memory_space<semaphore_mem>>) attributes {dimension_semantics = [#tpu.dimension_semantics<core_parallel>, #tpu.dimension_semantics<subcore_parallel>], iteration_bounds = array<i64: 2, 16>, scalar_prefetch = 0 : i64, scratch_operands = 3 : i64, tpu.core_type = #tpu.core_type<sc_vector_subcore>, window_params = [{transform_indices = #map}, {transform_indices = #map}, {transform_indices = #map}]} {
    %mul3A = arith.constant 2 : i32
    %mul3A_0 = arith.muli %arg1, %mul3A : i32
    %add3A = arith.addi %mul3A_0, %arg0 : i32
    %mul3A_1 = arith.constant 160 : i32
    %mul3A_2 = arith.muli %add3A, %mul3A_1 : i32
    "tpu.region"() ({
      %run_scoped3A = tpu.sem_alloc : memref<!tpu.dma_semaphore, #tpu.memory_space<semaphore_mem>>
      %dma_start3A = arith.constant 0 : i32
      %dma_start3A_9 = tpu.memref_slice %arg3[%mul3A_2, %dma_start3A] : memref<5120x128xi32, #tpu.memory_space<hbm>> -> memref<160x128xi32, #tpu.memory_space<hbm>>
      %dma_start3A_10 = arith.constant 0 : i32
      %dma_start3A_11 = tpu.memref_slice %arg3[%mul3A_2, %dma_start3A_10] : memref<5120x128xi32, #tpu.memory_space<hbm>> -> memref<160x128xi32, #tpu.memory_space<hbm>>
      tpu.enqueue_dma source(%dma_start3A_11 : memref<160x128xi32, #tpu.memory_space<hbm>>) target(%arg5 : memref<160x128xi32, #tpu.memory_space<vmem>>) target_semaphore(%run_scoped3A : memref<!tpu.dma_semaphore, #tpu.memory_space<semaphore_mem>>)
      %dma_wait3A = arith.constant 0 : i32
      %dma_wait3A_12 = tpu.memref_slice %arg3[%mul3A_2, %dma_wait3A] : memref<5120x128xi32, #tpu.memory_space<hbm>> -> memref<160x128xi32, #tpu.memory_space<hbm>>
      %dma_wait3A_13 = arith.constant 0 : i32
      %dma_wait3A_14 = tpu.memref_slice %arg3[%mul3A_2, %dma_wait3A_13] : memref<5120x128xi32, #tpu.memory_space<hbm>> -> memref<160x128xi32, #tpu.memory_space<hbm>>
      tpu.wait_dma2 semaphore(%run_scoped3A : memref<!tpu.dma_semaphore, #tpu.memory_space<semaphore_mem>>) src(%dma_wait3A_14 : memref<160x128xi32, #tpu.memory_space<hbm>>) dst(%arg5 : memref<160x128xi32, #tpu.memory_space<vmem>>)
      tpu.yield
    }) : () -> ()
    %scan3A = arith.constant 0 : i32
    %scan3A_3 = arith.constant 0 : i32
    %scan3A_4 = arith.constant 10 : i32
    %scan3A_5 = arith.addi %scan3A_3, %scan3A_4 : i32
    %scan3A_6 = arith.constant 1 : i32
    %scan3A_7 = scf.for %scan3A_9 = %scan3A_3 to %scan3A_5 step %scan3A_6 iter_args(%scan3A_10 = %scan3A) -> (i32)  : i32 {
      %mul3A_11 = arith.constant 16 : i32
      %mul3A_12 = arith.muli %scan3A_9, %mul3A_11 : i32
      %add3A_13 = arith.constant 0 : i32
      %add3A_14 = arith.addi %mul3A_12, %add3A_13 : i32
      %dma_start3A = arith.constant 0 : i32
      %dma_start3A_15 = arith.constant 0 : i32
      %dma_start3A_16 = tpu.memref_slice %arg6[%dma_start3A, %dma_start3A_15] : memref<2048x16xf32, #tpu.memory_space<vmem>> -> memref<128x16xf32, #tpu.memory_space<vmem>>
      %dma_start3A_17 = arith.constant 0 : i32
      %dma_start3A_18 = tpu.memref_slice %arg5[%add3A_14, %dma_start3A_17] : memref<160x128xi32, #tpu.memory_space<vmem>> -> memref<1x128xi32, #tpu.memory_space<vmem>>
      %dma_start3A_19 = tpu.memref_squeeze %dma_start3A_18 : memref<1x128xi32, #tpu.memory_space<vmem>> -> memref<128xi32, #tpu.memory_space<vmem>>
      %dma_start3A_20 = arith.constant 0 : i32
      %dma_start3A_21 = arith.constant 0 : i32
      %dma_start3A_22 = tpu.memref_slice %arg2[%dma_start3A_20, %dma_start3A_21] : memref<16384x16xf32, #tpu.memory_space<hbm>> -> memref<16384x16xf32, #tpu.memory_space<hbm>>
      tpu.enqueue_indirect_dma source(%dma_start3A_22 : memref<16384x16xf32, #tpu.memory_space<hbm>>) target(%dma_start3A_16 : memref<128x16xf32, #tpu.memory_space<vmem>>) offsets(%dma_start3A_19 : memref<128xi32, #tpu.memory_space<vmem>>) semaphore(%arg7 : memref<!tpu.dma_semaphore, #tpu.memory_space<semaphore_mem>>)
      %mul3A_23 = arith.constant 16 : i32
      %mul3A_24 = arith.muli %scan3A_9, %mul3A_23 : i32
      %add3A_25 = arith.constant 1 : i32
      %add3A_26 = arith.addi %mul3A_24, %add3A_25 : i32
      %dma_start3A_27 = arith.constant 128 : i32
      %dma_start3A_28 = arith.constant 0 : i32
      %dma_start3A_29 = tpu.memref_slice %arg6[%dma_start3A_27, %dma_start3A_28] : memref<2048x16xf32, #tpu.memory_space<vmem>> -> memref<128x16xf32, #tpu.memory_space<vmem>>
      %dma_start3A_30 = arith.constant 0 : i32
      %dma_start3A_31 = tpu.memref_slice %arg5[%add3A_26, %dma_start3A_30] : memref<160x128xi32, #tpu.memory_space<vmem>> -> memref<1x128xi32, #tpu.memory_space<vmem>>
      %dma_start3A_32 = tpu.memref_squeeze %dma_start3A_31 : memref<1x128xi32, #tpu.memory_space<vmem>> -> memref<128xi32, #tpu.memory_space<vmem>>
      %dma_start3A_33 = arith.constant 0 : i32
      %dma_start3A_34 = arith.constant 0 : i32
      %dma_start3A_35 = tpu.memref_slice %arg2[%dma_start3A_33, %dma_start3A_34] : memref<16384x16xf32, #tpu.memory_space<hbm>> -> memref<16384x16xf32, #tpu.memory_space<hbm>>
      tpu.enqueue_indirect_dma source(%dma_start3A_35 : memref<16384x16xf32, #tpu.memory_space<hbm>>) target(%dma_start3A_29 : memref<128x16xf32, #tpu.memory_space<vmem>>) offsets(%dma_start3A_32 : memref<128xi32, #tpu.memory_space<vmem>>) semaphore(%arg7 : memref<!tpu.dma_semaphore, #tpu.memory_space<semaphore_mem>>)
      %mul3A_36 = arith.constant 16 : i32
      %mul3A_37 = arith.muli %scan3A_9, %mul3A_36 : i32
      %add3A_38 = arith.constant 2 : i32
      %add3A_39 = arith.addi %mul3A_37, %add3A_38 : i32
      %dma_start3A_40 = arith.constant 256 : i32
      %dma_start3A_41 = arith.constant 0 : i32
      %dma_start3A_42 = tpu.memref_slice %arg6[%dma_start3A_40, %dma_start3A_41] : memref<2048x16xf32, #tpu.memory_space<vmem>> -> memref<128x16xf32, #tpu.memory_space<vmem>>
      %dma_start3A_43 = arith.constant 0 : i32
      %dma_start3A_44 = tpu.memref_slice %arg5[%add3A_39, %dma_start3A_43] : memref<160x128xi32, #tpu.memory_space<vmem>> -> memref<1x128xi32, #tpu.memory_space<vmem>>
      %dma_start3A_45 = tpu.memref_squeeze %dma_start3A_44 : memref<1x128xi32, #tpu.memory_space<vmem>> -> memref<128xi32, #tpu.memory_space<vmem>>
      %dma_start3A_46 = arith.constant 0 : i32
      %dma_start3A_47 = arith.constant 0 : i32
      %dma_start3A_48 = tpu.memref_slice %arg2[%dma_start3A_46, %dma_start3A_47] : memref<16384x16xf32, #tpu.memory_space<hbm>> -> memref<16384x16xf32, #tpu.memory_space<hbm>>
      tpu.enqueue_indirect_dma source(%dma_start3A_48 : memref<16384x16xf32, #tpu.memory_space<hbm>>) target(%dma_start3A_42 : memref<128x16xf32, #tpu.memory_space<vmem>>) offsets(%dma_start3A_45 : memref<128xi32, #tpu.memory_space<vmem>>) semaphore(%arg7 : memref<!tpu.dma_semaphore, #tpu.memory_space<semaphore_mem>>)
      %mul3A_49 = arith.constant 16 : i32
      %mul3A_50 = arith.muli %scan3A_9, %mul3A_49 : i32
      %add3A_51 = arith.constant 3 : i32
      %add3A_52 = arith.addi %mul3A_50, %add3A_51 : i32
      %dma_start3A_53 = arith.constant 384 : i32
      %dma_start3A_54 = arith.constant 0 : i32
      %dma_start3A_55 = tpu.memref_slice %arg6[%dma_start3A_53, %dma_start3A_54] : memref<2048x16xf32, #tpu.memory_space<vmem>> -> memref<128x16xf32, #tpu.memory_space<vmem>>
      %dma_start3A_56 = arith.constant 0 : i32
      %dma_start3A_57 = tpu.memref_slice %arg5[%add3A_52, %dma_start3A_56] : memref<160x128xi32, #tpu.memory_space<vmem>> -> memref<1x128xi32, #tpu.memory_space<vmem>>
      %dma_start3A_58 = tpu.memref_squeeze %dma_start3A_57 : memref<1x128xi32, #tpu.memory_space<vmem>> -> memref<128xi32, #tpu.memory_space<vmem>>
      %dma_start3A_59 = arith.constant 0 : i32
      %dma_start3A_60 = arith.constant 0 : i32
      %dma_start3A_61 = tpu.memref_slice %arg2[%dma_start3A_59, %dma_start3A_60] : memref<16384x16xf32, #tpu.memory_space<hbm>> -> memref<16384x16xf32, #tpu.memory_space<hbm>>
      tpu.enqueue_indirect_dma source(%dma_start3A_61 : memref<16384x16xf32, #tpu.memory_space<hbm>>) target(%dma_start3A_55 : memref<128x16xf32, #tpu.memory_space<vmem>>) offsets(%dma_start3A_58 : memref<128xi32, #tpu.memory_space<vmem>>) semaphore(%arg7 : memref<!tpu.dma_semaphore, #tpu.memory_space<semaphore_mem>>)
      %mul3A_62 = arith.constant 16 : i32
      %mul3A_63 = arith.muli %scan3A_9, %mul3A_62 : i32
      %add3A_64 = arith.constant 4 : i32
      %add3A_65 = arith.addi %mul3A_63, %add3A_64 : i32
      %dma_start3A_66 = arith.constant 512 : i32
      %dma_start3A_67 = arith.constant 0 : i32
      %dma_start3A_68 = tpu.memref_slice %arg6[%dma_start3A_66, %dma_start3A_67] : memref<2048x16xf32, #tpu.memory_space<vmem>> -> memref<128x16xf32, #tpu.memory_space<vmem>>
      %dma_start3A_69 = arith.constant 0 : i32
      %dma_start3A_70 = tpu.memref_slice %arg5[%add3A_65, %dma_start3A_69] : memref<160x128xi32, #tpu.memory_space<vmem>> -> memref<1x128xi32, #tpu.memory_space<vmem>>
      %dma_start3A_71 = tpu.memref_squeeze %dma_start3A_70 : memref<1x128xi32, #tpu.memory_space<vmem>> -> memref<128xi32, #tpu.memory_space<vmem>>
      %dma_start3A_72 = arith.constant 0 : i32
      %dma_start3A_73 = arith.constant 0 : i32
      %dma_start3A_74 = tpu.memref_slice %arg2[%dma_start3A_72, %dma_start3A_73] : memref<16384x16xf32, #tpu.memory_space<hbm>> -> memref<16384x16xf32, #tpu.memory_space<hbm>>
      tpu.enqueue_indirect_dma source(%dma_start3A_74 : memref<16384x16xf32, #tpu.memory_space<hbm>>) target(%dma_start3A_68 : memref<128x16xf32, #tpu.memory_space<vmem>>) offsets(%dma_start3A_71 : memref<128xi32, #tpu.memory_space<vmem>>) semaphore(%arg7 : memref<!tpu.dma_semaphore, #tpu.memory_space<semaphore_mem>>)
      %mul3A_75 = arith.constant 16 : i32
      %mul3A_76 = arith.muli %scan3A_9, %mul3A_75 : i32
      %add3A_77 = arith.constant 5 : i32
      %add3A_78 = arith.addi %mul3A_76, %add3A_77 : i32
      %dma_start3A_79 = arith.constant 640 : i32
      %dma_start3A_80 = arith.constant 0 : i32
      %dma_start3A_81 = tpu.memref_slice %arg6[%dma_start3A_79, %dma_start3A_80] : memref<2048x16xf32, #tpu.memory_space<vmem>> -> memref<128x16xf32, #tpu.memory_space<vmem>>
      %dma_start3A_82 = arith.constant 0 : i32
      %dma_start3A_83 = tpu.memref_slice %arg5[%add3A_78, %dma_start3A_82] : memref<160x128xi32, #tpu.memory_space<vmem>> -> memref<1x128xi32, #tpu.memory_space<vmem>>
      %dma_start3A_84 = tpu.memref_squeeze %dma_start3A_83 : memref<1x128xi32, #tpu.memory_space<vmem>> -> memref<128xi32, #tpu.memory_space<vmem>>
      %dma_start3A_85 = arith.constant 0 : i32
      %dma_start3A_86 = arith.constant 0 : i32
      %dma_start3A_87 = tpu.memref_slice %arg2[%dma_start3A_85, %dma_start3A_86] : memref<16384x16xf32, #tpu.memory_space<hbm>> -> memref<16384x16xf32, #tpu.memory_space<hbm>>
      tpu.enqueue_indirect_dma source(%dma_start3A_87 : memref<16384x16xf32, #tpu.memory_space<hbm>>) target(%dma_start3A_81 : memref<128x16xf32, #tpu.memory_space<vmem>>) offsets(%dma_start3A_84 : memref<128xi32, #tpu.memory_space<vmem>>) semaphore(%arg7 : memref<!tpu.dma_semaphore, #tpu.memory_space<semaphore_mem>>)
      %mul3A_88 = arith.constant 16 : i32
      %mul3A_89 = arith.muli %scan3A_9, %mul3A_88 : i32
      %add3A_90 = arith.constant 6 : i32
      %add3A_91 = arith.addi %mul3A_89, %add3A_90 : i32
      %dma_start3A_92 = arith.constant 768 : i32
      %dma_start3A_93 = arith.constant 0 : i32
      %dma_start3A_94 = tpu.memref_slice %arg6[%dma_start3A_92, %dma_start3A_93] : memref<2048x16xf32, #tpu.memory_space<vmem>> -> memref<128x16xf32, #tpu.memory_space<vmem>>
      %dma_start3A_95 = arith.constant 0 : i32
      %dma_start3A_96 = tpu.memref_slice %arg5[%add3A_91, %dma_start3A_95] : memref<160x128xi32, #tpu.memory_space<vmem>> -> memref<1x128xi32, #tpu.memory_space<vmem>>
      %dma_start3A_97 = tpu.memref_squeeze %dma_start3A_96 : memref<1x128xi32, #tpu.memory_space<vmem>> -> memref<128xi32, #tpu.memory_space<vmem>>
      %dma_start3A_98 = arith.constant 0 : i32
      %dma_start3A_99 = arith.constant 0 : i32
      %dma_start3A_100 = tpu.memref_slice %arg2[%dma_start3A_98, %dma_start3A_99] : memref<16384x16xf32, #tpu.memory_space<hbm>> -> memref<16384x16xf32, #tpu.memory_space<hbm>>
      tpu.enqueue_indirect_dma source(%dma_start3A_100 : memref<16384x16xf32, #tpu.memory_space<hbm>>) target(%dma_start3A_94 : memref<128x16xf32, #tpu.memory_space<vmem>>) offsets(%dma_start3A_97 : memref<128xi32, #tpu.memory_space<vmem>>) semaphore(%arg7 : memref<!tpu.dma_semaphore, #tpu.memory_space<semaphore_mem>>)
      %mul3A_101 = arith.constant 16 : i32
      %mul3A_102 = arith.muli %scan3A_9, %mul3A_101 : i32
      %add3A_103 = arith.constant 7 : i32
      %add3A_104 = arith.addi %mul3A_102, %add3A_103 : i32
      %dma_start3A_105 = arith.constant 896 : i32
      %dma_start3A_106 = arith.constant 0 : i32
      %dma_start3A_107 = tpu.memref_slice %arg6[%dma_start3A_105, %dma_start3A_106] : memref<2048x16xf32, #tpu.memory_space<vmem>> -> memref<128x16xf32, #tpu.memory_space<vmem>>
      %dma_start3A_108 = arith.constant 0 : i32
      %dma_start3A_109 = tpu.memref_slice %arg5[%add3A_104, %dma_start3A_108] : memref<160x128xi32, #tpu.memory_space<vmem>> -> memref<1x128xi32, #tpu.memory_space<vmem>>
      %dma_start3A_110 = tpu.memref_squeeze %dma_start3A_109 : memref<1x128xi32, #tpu.memory_space<vmem>> -> memref<128xi32, #tpu.memory_space<vmem>>
      %dma_start3A_111 = arith.constant 0 : i32
      %dma_start3A_112 = arith.constant 0 : i32
      %dma_start3A_113 = tpu.memref_slice %arg2[%dma_start3A_111, %dma_start3A_112] : memref<16384x16xf32, #tpu.memory_space<hbm>> -> memref<16384x16xf32, #tpu.memory_space<hbm>>
      tpu.enqueue_indirect_dma source(%dma_start3A_113 : memref<16384x16xf32, #tpu.memory_space<hbm>>) target(%dma_start3A_107 : memref<128x16xf32, #tpu.memory_space<vmem>>) offsets(%dma_start3A_110 : memref<128xi32, #tpu.memory_space<vmem>>) semaphore(%arg7 : memref<!tpu.dma_semaphore, #tpu.memory_space<semaphore_mem>>)
      %mul3A_114 = arith.constant 16 : i32
      %mul3A_115 = arith.muli %scan3A_9, %mul3A_114 : i32
      %add3A_116 = arith.constant 8 : i32
      %add3A_117 = arith.addi %mul3A_115, %add3A_116 : i32
      %dma_start3A_118 = arith.constant 1024 : i32
      %dma_start3A_119 = arith.constant 0 : i32
      %dma_start3A_120 = tpu.memref_slice %arg6[%dma_start3A_118, %dma_start3A_119] : memref<2048x16xf32, #tpu.memory_space<vmem>> -> memref<128x16xf32, #tpu.memory_space<vmem>>
      %dma_start3A_121 = arith.constant 0 : i32
      %dma_start3A_122 = tpu.memref_slice %arg5[%add3A_117, %dma_start3A_121] : memref<160x128xi32, #tpu.memory_space<vmem>> -> memref<1x128xi32, #tpu.memory_space<vmem>>
      %dma_start3A_123 = tpu.memref_squeeze %dma_start3A_122 : memref<1x128xi32, #tpu.memory_space<vmem>> -> memref<128xi32, #tpu.memory_space<vmem>>
      %dma_start3A_124 = arith.constant 0 : i32
      %dma_start3A_125 = arith.constant 0 : i32
      %dma_start3A_126 = tpu.memref_slice %arg2[%dma_start3A_124, %dma_start3A_125] : memref<16384x16xf32, #tpu.memory_space<hbm>> -> memref<16384x16xf32, #tpu.memory_space<hbm>>
      tpu.enqueue_indirect_dma source(%dma_start3A_126 : memref<16384x16xf32, #tpu.memory_space<hbm>>) target(%dma_start3A_120 : memref<128x16xf32, #tpu.memory_space<vmem>>) offsets(%dma_start3A_123 : memref<128xi32, #tpu.memory_space<vmem>>) semaphore(%arg7 : memref<!tpu.dma_semaphore, #tpu.memory_space<semaphore_mem>>)
      %mul3A_127 = arith.constant 16 : i32
      %mul3A_128 = arith.muli %scan3A_9, %mul3A_127 : i32
      %add3A_129 = arith.constant 9 : i32
      %add3A_130 = arith.addi %mul3A_128, %add3A_129 : i32
      %dma_start3A_131 = arith.constant 1152 : i32
      %dma_start3A_132 = arith.constant 0 : i32
      %dma_start3A_133 = tpu.memref_slice %arg6[%dma_start3A_131, %dma_start3A_132] : memref<2048x16xf32, #tpu.memory_space<vmem>> -> memref<128x16xf32, #tpu.memory_space<vmem>>
      %dma_start3A_134 = arith.constant 0 : i32
      %dma_start3A_135 = tpu.memref_slice %arg5[%add3A_130, %dma_start3A_134] : memref<160x128xi32, #tpu.memory_space<vmem>> -> memref<1x128xi32, #tpu.memory_space<vmem>>
      %dma_start3A_136 = tpu.memref_squeeze %dma_start3A_135 : memref<1x128xi32, #tpu.memory_space<vmem>> -> memref<128xi32, #tpu.memory_space<vmem>>
      %dma_start3A_137 = arith.constant 0 : i32
      %dma_start3A_138 = arith.constant 0 : i32
      %dma_start3A_139 = tpu.memref_slice %arg2[%dma_start3A_137, %dma_start3A_138] : memref<16384x16xf32, #tpu.memory_space<hbm>> -> memref<16384x16xf32, #tpu.memory_space<hbm>>
      tpu.enqueue_indirect_dma source(%dma_start3A_139 : memref<16384x16xf32, #tpu.memory_space<hbm>>) target(%dma_start3A_133 : memref<128x16xf32, #tpu.memory_space<vmem>>) offsets(%dma_start3A_136 : memref<128xi32, #tpu.memory_space<vmem>>) semaphore(%arg7 : memref<!tpu.dma_semaphore, #tpu.memory_space<semaphore_mem>>)
      %mul3A_140 = arith.constant 16 : i32
      %mul3A_141 = arith.muli %scan3A_9, %mul3A_140 : i32
      %add3A_142 = arith.constant 10 : i32
      %add3A_143 = arith.addi %mul3A_141, %add3A_142 : i32
      %dma_start3A_144 = arith.constant 1280 : i32
      %dma_start3A_145 = arith.constant 0 : i32
      %dma_start3A_146 = tpu.memref_slice %arg6[%dma_start3A_144, %dma_start3A_145] : memref<2048x16xf32, #tpu.memory_space<vmem>> -> memref<128x16xf32, #tpu.memory_space<vmem>>
      %dma_start3A_147 = arith.constant 0 : i32
      %dma_start3A_148 = tpu.memref_slice %arg5[%add3A_143, %dma_start3A_147] : memref<160x128xi32, #tpu.memory_space<vmem>> -> memref<1x128xi32, #tpu.memory_space<vmem>>
      %dma_start3A_149 = tpu.memref_squeeze %dma_start3A_148 : memref<1x128xi32, #tpu.memory_space<vmem>> -> memref<128xi32, #tpu.memory_space<vmem>>
      %dma_start3A_150 = arith.constant 0 : i32
      %dma_start3A_151 = arith.constant 0 : i32
      %dma_start3A_152 = tpu.memref_slice %arg2[%dma_start3A_150, %dma_start3A_151] : memref<16384x16xf32, #tpu.memory_space<hbm>> -> memref<16384x16xf32, #tpu.memory_space<hbm>>
      tpu.enqueue_indirect_dma source(%dma_start3A_152 : memref<16384x16xf32, #tpu.memory_space<hbm>>) target(%dma_start3A_146 : memref<128x16xf32, #tpu.memory_space<vmem>>) offsets(%dma_start3A_149 : memref<128xi32, #tpu.memory_space<vmem>>) semaphore(%arg7 : memref<!tpu.dma_semaphore, #tpu.memory_space<semaphore_mem>>)
      %mul3A_153 = arith.constant 16 : i32
      %mul3A_154 = arith.muli %scan3A_9, %mul3A_153 : i32
      %add3A_155 = arith.constant 11 : i32
      %add3A_156 = arith.addi %mul3A_154, %add3A_155 : i32
      %dma_start3A_157 = arith.constant 1408 : i32
      %dma_start3A_158 = arith.constant 0 : i32
      %dma_start3A_159 = tpu.memref_slice %arg6[%dma_start3A_157, %dma_start3A_158] : memref<2048x16xf32, #tpu.memory_space<vmem>> -> memref<128x16xf32, #tpu.memory_space<vmem>>
      %dma_start3A_160 = arith.constant 0 : i32
      %dma_start3A_161 = tpu.memref_slice %arg5[%add3A_156, %dma_start3A_160] : memref<160x128xi32, #tpu.memory_space<vmem>> -> memref<1x128xi32, #tpu.memory_space<vmem>>
      %dma_start3A_162 = tpu.memref_squeeze %dma_start3A_161 : memref<1x128xi32, #tpu.memory_space<vmem>> -> memref<128xi32, #tpu.memory_space<vmem>>
      %dma_start3A_163 = arith.constant 0 : i32
      %dma_start3A_164 = arith.constant 0 : i32
      %dma_start3A_165 = tpu.memref_slice %arg2[%dma_start3A_163, %dma_start3A_164] : memref<16384x16xf32, #tpu.memory_space<hbm>> -> memref<16384x16xf32, #tpu.memory_space<hbm>>
      tpu.enqueue_indirect_dma source(%dma_start3A_165 : memref<16384x16xf32, #tpu.memory_space<hbm>>) target(%dma_start3A_159 : memref<128x16xf32, #tpu.memory_space<vmem>>) offsets(%dma_start3A_162 : memref<128xi32, #tpu.memory_space<vmem>>) semaphore(%arg7 : memref<!tpu.dma_semaphore, #tpu.memory_space<semaphore_mem>>)
      %mul3A_166 = arith.constant 16 : i32
      %mul3A_167 = arith.muli %scan3A_9, %mul3A_166 : i32
      %add3A_168 = arith.constant 12 : i32
      %add3A_169 = arith.addi %mul3A_167, %add3A_168 : i32
      %dma_start3A_170 = arith.constant 1536 : i32
      %dma_start3A_171 = arith.constant 0 : i32
      %dma_start3A_172 = tpu.memref_slice %arg6[%dma_start3A_170, %dma_start3A_171] : memref<2048x16xf32, #tpu.memory_space<vmem>> -> memref<128x16xf32, #tpu.memory_space<vmem>>
      %dma_start3A_173 = arith.constant 0 : i32
      %dma_start3A_174 = tpu.memref_slice %arg5[%add3A_169, %dma_start3A_173] : memref<160x128xi32, #tpu.memory_space<vmem>> -> memref<1x128xi32, #tpu.memory_space<vmem>>
      %dma_start3A_175 = tpu.memref_squeeze %dma_start3A_174 : memref<1x128xi32, #tpu.memory_space<vmem>> -> memref<128xi32, #tpu.memory_space<vmem>>
      %dma_start3A_176 = arith.constant 0 : i32
      %dma_start3A_177 = arith.constant 0 : i32
      %dma_start3A_178 = tpu.memref_slice %arg2[%dma_start3A_176, %dma_start3A_177] : memref<16384x16xf32, #tpu.memory_space<hbm>> -> memref<16384x16xf32, #tpu.memory_space<hbm>>
      tpu.enqueue_indirect_dma source(%dma_start3A_178 : memref<16384x16xf32, #tpu.memory_space<hbm>>) target(%dma_start3A_172 : memref<128x16xf32, #tpu.memory_space<vmem>>) offsets(%dma_start3A_175 : memref<128xi32, #tpu.memory_space<vmem>>) semaphore(%arg7 : memref<!tpu.dma_semaphore, #tpu.memory_space<semaphore_mem>>)
      %mul3A_179 = arith.constant 16 : i32
      %mul3A_180 = arith.muli %scan3A_9, %mul3A_179 : i32
      %add3A_181 = arith.constant 13 : i32
      %add3A_182 = arith.addi %mul3A_180, %add3A_181 : i32
      %dma_start3A_183 = arith.constant 1664 : i32
      %dma_start3A_184 = arith.constant 0 : i32
      %dma_start3A_185 = tpu.memref_slice %arg6[%dma_start3A_183, %dma_start3A_184] : memref<2048x16xf32, #tpu.memory_space<vmem>> -> memref<128x16xf32, #tpu.memory_space<vmem>>
      %dma_start3A_186 = arith.constant 0 : i32
      %dma_start3A_187 = tpu.memref_slice %arg5[%add3A_182, %dma_start3A_186] : memref<160x128xi32, #tpu.memory_space<vmem>> -> memref<1x128xi32, #tpu.memory_space<vmem>>
      %dma_start3A_188 = tpu.memref_squeeze %dma_start3A_187 : memref<1x128xi32, #tpu.memory_space<vmem>> -> memref<128xi32, #tpu.memory_space<vmem>>
      %dma_start3A_189 = arith.constant 0 : i32
      %dma_start3A_190 = arith.constant 0 : i32
      %dma_start3A_191 = tpu.memref_slice %arg2[%dma_start3A_189, %dma_start3A_190] : memref<16384x16xf32, #tpu.memory_space<hbm>> -> memref<16384x16xf32, #tpu.memory_space<hbm>>
      tpu.enqueue_indirect_dma source(%dma_start3A_191 : memref<16384x16xf32, #tpu.memory_space<hbm>>) target(%dma_start3A_185 : memref<128x16xf32, #tpu.memory_space<vmem>>) offsets(%dma_start3A_188 : memref<128xi32, #tpu.memory_space<vmem>>) semaphore(%arg7 : memref<!tpu.dma_semaphore, #tpu.memory_space<semaphore_mem>>)
      %mul3A_192 = arith.constant 16 : i32
      %mul3A_193 = arith.muli %scan3A_9, %mul3A_192 : i32
      %add3A_194 = arith.constant 14 : i32
      %add3A_195 = arith.addi %mul3A_193, %add3A_194 : i32
      %dma_start3A_196 = arith.constant 1792 : i32
      %dma_start3A_197 = arith.constant 0 : i32
      %dma_start3A_198 = tpu.memref_slice %arg6[%dma_start3A_196, %dma_start3A_197] : memref<2048x16xf32, #tpu.memory_space<vmem>> -> memref<128x16xf32, #tpu.memory_space<vmem>>
      %dma_start3A_199 = arith.constant 0 : i32
      %dma_start3A_200 = tpu.memref_slice %arg5[%add3A_195, %dma_start3A_199] : memref<160x128xi32, #tpu.memory_space<vmem>> -> memref<1x128xi32, #tpu.memory_space<vmem>>
      %dma_start3A_201 = tpu.memref_squeeze %dma_start3A_200 : memref<1x128xi32, #tpu.memory_space<vmem>> -> memref<128xi32, #tpu.memory_space<vmem>>
      %dma_start3A_202 = arith.constant 0 : i32
      %dma_start3A_203 = arith.constant 0 : i32
      %dma_start3A_204 = tpu.memref_slice %arg2[%dma_start3A_202, %dma_start3A_203] : memref<16384x16xf32, #tpu.memory_space<hbm>> -> memref<16384x16xf32, #tpu.memory_space<hbm>>
      tpu.enqueue_indirect_dma source(%dma_start3A_204 : memref<16384x16xf32, #tpu.memory_space<hbm>>) target(%dma_start3A_198 : memref<128x16xf32, #tpu.memory_space<vmem>>) offsets(%dma_start3A_201 : memref<128xi32, #tpu.memory_space<vmem>>) semaphore(%arg7 : memref<!tpu.dma_semaphore, #tpu.memory_space<semaphore_mem>>)
      %mul3A_205 = arith.constant 16 : i32
      %mul3A_206 = arith.muli %scan3A_9, %mul3A_205 : i32
      %add3A_207 = arith.constant 15 : i32
      %add3A_208 = arith.addi %mul3A_206, %add3A_207 : i32
      %dma_start3A_209 = arith.constant 1920 : i32
      %dma_start3A_210 = arith.constant 0 : i32
      %dma_start3A_211 = tpu.memref_slice %arg6[%dma_start3A_209, %dma_start3A_210] : memref<2048x16xf32, #tpu.memory_space<vmem>> -> memref<128x16xf32, #tpu.memory_space<vmem>>
      %dma_start3A_212 = arith.constant 0 : i32
      %dma_start3A_213 = tpu.memref_slice %arg5[%add3A_208, %dma_start3A_212] : memref<160x128xi32, #tpu.memory_space<vmem>> -> memref<1x128xi32, #tpu.memory_space<vmem>>
      %dma_start3A_214 = tpu.memref_squeeze %dma_start3A_213 : memref<1x128xi32, #tpu.memory_space<vmem>> -> memref<128xi32, #tpu.memory_space<vmem>>
      %dma_start3A_215 = arith.constant 0 : i32
      %dma_start3A_216 = arith.constant 0 : i32
      %dma_start3A_217 = tpu.memref_slice %arg2[%dma_start3A_215, %dma_start3A_216] : memref<16384x16xf32, #tpu.memory_space<hbm>> -> memref<16384x16xf32, #tpu.memory_space<hbm>>
      tpu.enqueue_indirect_dma source(%dma_start3A_217 : memref<16384x16xf32, #tpu.memory_space<hbm>>) target(%dma_start3A_211 : memref<128x16xf32, #tpu.memory_space<vmem>>) offsets(%dma_start3A_214 : memref<128xi32, #tpu.memory_space<vmem>>) semaphore(%arg7 : memref<!tpu.dma_semaphore, #tpu.memory_space<semaphore_mem>>)
      %mul3A_218 = arith.constant 16 : i32
      %mul3A_219 = arith.muli %scan3A_9, %mul3A_218 : i32
      %add3A_220 = arith.constant 0 : i32
      %add3A_221 = arith.addi %mul3A_219, %add3A_220 : i32
      %dma_wait3A = arith.constant 0 : i32
      %dma_wait3A_222 = arith.constant 0 : i32
      %dma_wait3A_223 = tpu.memref_slice %arg6[%dma_wait3A, %dma_wait3A_222] : memref<2048x16xf32, #tpu.memory_space<vmem>> -> memref<128x16xf32, #tpu.memory_space<vmem>>
      %dma_wait3A_224 = arith.constant 0 : i32
      %dma_wait3A_225 = tpu.memref_slice %arg5[%add3A_221, %dma_wait3A_224] : memref<160x128xi32, #tpu.memory_space<vmem>> -> memref<1x128xi32, #tpu.memory_space<vmem>>
      %dma_wait3A_226 = tpu.memref_squeeze %dma_wait3A_225 : memref<1x128xi32, #tpu.memory_space<vmem>> -> memref<128xi32, #tpu.memory_space<vmem>>
      %dma_wait3A_227 = arith.constant 0 : i32
      %dma_wait3A_228 = arith.constant 0 : i32
      %dma_wait3A_229 = tpu.memref_slice %arg2[%dma_wait3A_227, %dma_wait3A_228] : memref<16384x16xf32, #tpu.memory_space<hbm>> -> memref<16384x16xf32, #tpu.memory_space<hbm>>
      tpu.wait_indirect_dma semaphore(%arg7 : memref<!tpu.dma_semaphore, #tpu.memory_space<semaphore_mem>>) src(%dma_wait3A_229 : memref<16384x16xf32, #tpu.memory_space<hbm>>) dst(%dma_wait3A_223 : memref<128x16xf32, #tpu.memory_space<vmem>>)
      %mul3A_230 = arith.constant 16 : i32
      %mul3A_231 = arith.muli %scan3A_9, %mul3A_230 : i32
      %add3A_232 = arith.constant 1 : i32
      %add3A_233 = arith.addi %mul3A_231, %add3A_232 : i32
      %dma_wait3A_234 = arith.constant 128 : i32
      %dma_wait3A_235 = arith.constant 0 : i32
      %dma_wait3A_236 = tpu.memref_slice %arg6[%dma_wait3A_234, %dma_wait3A_235] : memref<2048x16xf32, #tpu.memory_space<vmem>> -> memref<128x16xf32, #tpu.memory_space<vmem>>
      %dma_wait3A_237 = arith.constant 0 : i32
      %dma_wait3A_238 = tpu.memref_slice %arg5[%add3A_233, %dma_wait3A_237] : memref<160x128xi32, #tpu.memory_space<vmem>> -> memref<1x128xi32, #tpu.memory_space<vmem>>
      %dma_wait3A_239 = tpu.memref_squeeze %dma_wait3A_238 : memref<1x128xi32, #tpu.memory_space<vmem>> -> memref<128xi32, #tpu.memory_space<vmem>>
      %dma_wait3A_240 = arith.constant 0 : i32
      %dma_wait3A_241 = arith.constant 0 : i32
      %dma_wait3A_242 = tpu.memref_slice %arg2[%dma_wait3A_240, %dma_wait3A_241] : memref<16384x16xf32, #tpu.memory_space<hbm>> -> memref<16384x16xf32, #tpu.memory_space<hbm>>
      tpu.wait_indirect_dma semaphore(%arg7 : memref<!tpu.dma_semaphore, #tpu.memory_space<semaphore_mem>>) src(%dma_wait3A_242 : memref<16384x16xf32, #tpu.memory_space<hbm>>) dst(%dma_wait3A_236 : memref<128x16xf32, #tpu.memory_space<vmem>>)
      %mul3A_243 = arith.constant 16 : i32
      %mul3A_244 = arith.muli %scan3A_9, %mul3A_243 : i32
      %add3A_245 = arith.constant 2 : i32
      %add3A_246 = arith.addi %mul3A_244, %add3A_245 : i32
      %dma_wait3A_247 = arith.constant 256 : i32
      %dma_wait3A_248 = arith.constant 0 : i32
      %dma_wait3A_249 = tpu.memref_slice %arg6[%dma_wait3A_247, %dma_wait3A_248] : memref<2048x16xf32, #tpu.memory_space<vmem>> -> memref<128x16xf32, #tpu.memory_space<vmem>>
      %dma_wait3A_250 = arith.constant 0 : i32
      %dma_wait3A_251 = tpu.memref_slice %arg5[%add3A_246, %dma_wait3A_250] : memref<160x128xi32, #tpu.memory_space<vmem>> -> memref<1x128xi32, #tpu.memory_space<vmem>>
      %dma_wait3A_252 = tpu.memref_squeeze %dma_wait3A_251 : memref<1x128xi32, #tpu.memory_space<vmem>> -> memref<128xi32, #tpu.memory_space<vmem>>
      %dma_wait3A_253 = arith.constant 0 : i32
      %dma_wait3A_254 = arith.constant 0 : i32
      %dma_wait3A_255 = tpu.memref_slice %arg2[%dma_wait3A_253, %dma_wait3A_254] : memref<16384x16xf32, #tpu.memory_space<hbm>> -> memref<16384x16xf32, #tpu.memory_space<hbm>>
      tpu.wait_indirect_dma semaphore(%arg7 : memref<!tpu.dma_semaphore, #tpu.memory_space<semaphore_mem>>) src(%dma_wait3A_255 : memref<16384x16xf32, #tpu.memory_space<hbm>>) dst(%dma_wait3A_249 : memref<128x16xf32, #tpu.memory_space<vmem>>)
      %mul3A_256 = arith.constant 16 : i32
      %mul3A_257 = arith.muli %scan3A_9, %mul3A_256 : i32
      %add3A_258 = arith.constant 3 : i32
      %add3A_259 = arith.addi %mul3A_257, %add3A_258 : i32
      %dma_wait3A_260 = arith.constant 384 : i32
      %dma_wait3A_261 = arith.constant 0 : i32
      %dma_wait3A_262 = tpu.memref_slice %arg6[%dma_wait3A_260, %dma_wait3A_261] : memref<2048x16xf32, #tpu.memory_space<vmem>> -> memref<128x16xf32, #tpu.memory_space<vmem>>
      %dma_wait3A_263 = arith.constant 0 : i32
      %dma_wait3A_264 = tpu.memref_slice %arg5[%add3A_259, %dma_wait3A_263] : memref<160x128xi32, #tpu.memory_space<vmem>> -> memref<1x128xi32, #tpu.memory_space<vmem>>
      %dma_wait3A_265 = tpu.memref_squeeze %dma_wait3A_264 : memref<1x128xi32, #tpu.memory_space<vmem>> -> memref<128xi32, #tpu.memory_space<vmem>>
      %dma_wait3A_266 = arith.constant 0 : i32
      %dma_wait3A_267 = arith.constant 0 : i32
      %dma_wait3A_268 = tpu.memref_slice %arg2[%dma_wait3A_266, %dma_wait3A_267] : memref<16384x16xf32, #tpu.memory_space<hbm>> -> memref<16384x16xf32, #tpu.memory_space<hbm>>
      tpu.wait_indirect_dma semaphore(%arg7 : memref<!tpu.dma_semaphore, #tpu.memory_space<semaphore_mem>>) src(%dma_wait3A_268 : memref<16384x16xf32, #tpu.memory_space<hbm>>) dst(%dma_wait3A_262 : memref<128x16xf32, #tpu.memory_space<vmem>>)
      %mul3A_269 = arith.constant 16 : i32
      %mul3A_270 = arith.muli %scan3A_9, %mul3A_269 : i32
      %add3A_271 = arith.constant 4 : i32
      %add3A_272 = arith.addi %mul3A_270, %add3A_271 : i32
      %dma_wait3A_273 = arith.constant 512 : i32
      %dma_wait3A_274 = arith.constant 0 : i32
      %dma_wait3A_275 = tpu.memref_slice %arg6[%dma_wait3A_273, %dma_wait3A_274] : memref<2048x16xf32, #tpu.memory_space<vmem>> -> memref<128x16xf32, #tpu.memory_space<vmem>>
      %dma_wait3A_276 = arith.constant 0 : i32
      %dma_wait3A_277 = tpu.memref_slice %arg5[%add3A_272, %dma_wait3A_276] : memref<160x128xi32, #tpu.memory_space<vmem>> -> memref<1x128xi32, #tpu.memory_space<vmem>>
      %dma_wait3A_278 = tpu.memref_squeeze %dma_wait3A_277 : memref<1x128xi32, #tpu.memory_space<vmem>> -> memref<128xi32, #tpu.memory_space<vmem>>
      %dma_wait3A_279 = arith.constant 0 : i32
      %dma_wait3A_280 = arith.constant 0 : i32
      %dma_wait3A_281 = tpu.memref_slice %arg2[%dma_wait3A_279, %dma_wait3A_280] : memref<16384x16xf32, #tpu.memory_space<hbm>> -> memref<16384x16xf32, #tpu.memory_space<hbm>>
      tpu.wait_indirect_dma semaphore(%arg7 : memref<!tpu.dma_semaphore, #tpu.memory_space<semaphore_mem>>) src(%dma_wait3A_281 : memref<16384x16xf32, #tpu.memory_space<hbm>>) dst(%dma_wait3A_275 : memref<128x16xf32, #tpu.memory_space<vmem>>)
      %mul3A_282 = arith.constant 16 : i32
      %mul3A_283 = arith.muli %scan3A_9, %mul3A_282 : i32
      %add3A_284 = arith.constant 5 : i32
      %add3A_285 = arith.addi %mul3A_283, %add3A_284 : i32
      %dma_wait3A_286 = arith.constant 640 : i32
      %dma_wait3A_287 = arith.constant 0 : i32
      %dma_wait3A_288 = tpu.memref_slice %arg6[%dma_wait3A_286, %dma_wait3A_287] : memref<2048x16xf32, #tpu.memory_space<vmem>> -> memref<128x16xf32, #tpu.memory_space<vmem>>
      %dma_wait3A_289 = arith.constant 0 : i32
      %dma_wait3A_290 = tpu.memref_slice %arg5[%add3A_285, %dma_wait3A_289] : memref<160x128xi32, #tpu.memory_space<vmem>> -> memref<1x128xi32, #tpu.memory_space<vmem>>
      %dma_wait3A_291 = tpu.memref_squeeze %dma_wait3A_290 : memref<1x128xi32, #tpu.memory_space<vmem>> -> memref<128xi32, #tpu.memory_space<vmem>>
      %dma_wait3A_292 = arith.constant 0 : i32
      %dma_wait3A_293 = arith.constant 0 : i32
      %dma_wait3A_294 = tpu.memref_slice %arg2[%dma_wait3A_292, %dma_wait3A_293] : memref<16384x16xf32, #tpu.memory_space<hbm>> -> memref<16384x16xf32, #tpu.memory_space<hbm>>
      tpu.wait_indirect_dma semaphore(%arg7 : memref<!tpu.dma_semaphore, #tpu.memory_space<semaphore_mem>>) src(%dma_wait3A_294 : memref<16384x16xf32, #tpu.memory_space<hbm>>) dst(%dma_wait3A_288 : memref<128x16xf32, #tpu.memory_space<vmem>>)
      %mul3A_295 = arith.constant 16 : i32
      %mul3A_296 = arith.muli %scan3A_9, %mul3A_295 : i32
      %add3A_297 = arith.constant 6 : i32
      %add3A_298 = arith.addi %mul3A_296, %add3A_297 : i32
      %dma_wait3A_299 = arith.constant 768 : i32
      %dma_wait3A_300 = arith.constant 0 : i32
      %dma_wait3A_301 = tpu.memref_slice %arg6[%dma_wait3A_299, %dma_wait3A_300] : memref<2048x16xf32, #tpu.memory_space<vmem>> -> memref<128x16xf32, #tpu.memory_space<vmem>>
      %dma_wait3A_302 = arith.constant 0 : i32
      %dma_wait3A_303 = tpu.memref_slice %arg5[%add3A_298, %dma_wait3A_302] : memref<160x128xi32, #tpu.memory_space<vmem>> -> memref<1x128xi32, #tpu.memory_space<vmem>>
      %dma_wait3A_304 = tpu.memref_squeeze %dma_wait3A_303 : memref<1x128xi32, #tpu.memory_space<vmem>> -> memref<128xi32, #tpu.memory_space<vmem>>
      %dma_wait3A_305 = arith.constant 0 : i32
      %dma_wait3A_306 = arith.constant 0 : i32
      %dma_wait3A_307 = tpu.memref_slice %arg2[%dma_wait3A_305, %dma_wait3A_306] : memref<16384x16xf32, #tpu.memory_space<hbm>> -> memref<16384x16xf32, #tpu.memory_space<hbm>>
      tpu.wait_indirect_dma semaphore(%arg7 : memref<!tpu.dma_semaphore, #tpu.memory_space<semaphore_mem>>) src(%dma_wait3A_307 : memref<16384x16xf32, #tpu.memory_space<hbm>>) dst(%dma_wait3A_301 : memref<128x16xf32, #tpu.memory_space<vmem>>)
      %mul3A_308 = arith.constant 16 : i32
      %mul3A_309 = arith.muli %scan3A_9, %mul3A_308 : i32
      %add3A_310 = arith.constant 7 : i32
      %add3A_311 = arith.addi %mul3A_309, %add3A_310 : i32
      %dma_wait3A_312 = arith.constant 896 : i32
      %dma_wait3A_313 = arith.constant 0 : i32
      %dma_wait3A_314 = tpu.memref_slice %arg6[%dma_wait3A_312, %dma_wait3A_313] : memref<2048x16xf32, #tpu.memory_space<vmem>> -> memref<128x16xf32, #tpu.memory_space<vmem>>
      %dma_wait3A_315 = arith.constant 0 : i32
      %dma_wait3A_316 = tpu.memref_slice %arg5[%add3A_311, %dma_wait3A_315] : memref<160x128xi32, #tpu.memory_space<vmem>> -> memref<1x128xi32, #tpu.memory_space<vmem>>
      %dma_wait3A_317 = tpu.memref_squeeze %dma_wait3A_316 : memref<1x128xi32, #tpu.memory_space<vmem>> -> memref<128xi32, #tpu.memory_space<vmem>>
      %dma_wait3A_318 = arith.constant 0 : i32
      %dma_wait3A_319 = arith.constant 0 : i32
      %dma_wait3A_320 = tpu.memref_slice %arg2[%dma_wait3A_318, %dma_wait3A_319] : memref<16384x16xf32, #tpu.memory_space<hbm>> -> memref<16384x16xf32, #tpu.memory_space<hbm>>
      tpu.wait_indirect_dma semaphore(%arg7 : memref<!tpu.dma_semaphore, #tpu.memory_space<semaphore_mem>>) src(%dma_wait3A_320 : memref<16384x16xf32, #tpu.memory_space<hbm>>) dst(%dma_wait3A_314 : memref<128x16xf32, #tpu.memory_space<vmem>>)
      %mul3A_321 = arith.constant 16 : i32
      %mul3A_322 = arith.muli %scan3A_9, %mul3A_321 : i32
      %add3A_323 = arith.constant 8 : i32
      %add3A_324 = arith.addi %mul3A_322, %add3A_323 : i32
      %dma_wait3A_325 = arith.constant 1024 : i32
      %dma_wait3A_326 = arith.constant 0 : i32
      %dma_wait3A_327 = tpu.memref_slice %arg6[%dma_wait3A_325, %dma_wait3A_326] : memref<2048x16xf32, #tpu.memory_space<vmem>> -> memref<128x16xf32, #tpu.memory_space<vmem>>
      %dma_wait3A_328 = arith.constant 0 : i32
      %dma_wait3A_329 = tpu.memref_slice %arg5[%add3A_324, %dma_wait3A_328] : memref<160x128xi32, #tpu.memory_space<vmem>> -> memref<1x128xi32, #tpu.memory_space<vmem>>
      %dma_wait3A_330 = tpu.memref_squeeze %dma_wait3A_329 : memref<1x128xi32, #tpu.memory_space<vmem>> -> memref<128xi32, #tpu.memory_space<vmem>>
      %dma_wait3A_331 = arith.constant 0 : i32
      %dma_wait3A_332 = arith.constant 0 : i32
      %dma_wait3A_333 = tpu.memref_slice %arg2[%dma_wait3A_331, %dma_wait3A_332] : memref<16384x16xf32, #tpu.memory_space<hbm>> -> memref<16384x16xf32, #tpu.memory_space<hbm>>
      tpu.wait_indirect_dma semaphore(%arg7 : memref<!tpu.dma_semaphore, #tpu.memory_space<semaphore_mem>>) src(%dma_wait3A_333 : memref<16384x16xf32, #tpu.memory_space<hbm>>) dst(%dma_wait3A_327 : memref<128x16xf32, #tpu.memory_space<vmem>>)
      %mul3A_334 = arith.constant 16 : i32
      %mul3A_335 = arith.muli %scan3A_9, %mul3A_334 : i32
      %add3A_336 = arith.constant 9 : i32
      %add3A_337 = arith.addi %mul3A_335, %add3A_336 : i32
      %dma_wait3A_338 = arith.constant 1152 : i32
      %dma_wait3A_339 = arith.constant 0 : i32
      %dma_wait3A_340 = tpu.memref_slice %arg6[%dma_wait3A_338, %dma_wait3A_339] : memref<2048x16xf32, #tpu.memory_space<vmem>> -> memref<128x16xf32, #tpu.memory_space<vmem>>
      %dma_wait3A_341 = arith.constant 0 : i32
      %dma_wait3A_342 = tpu.memref_slice %arg5[%add3A_337, %dma_wait3A_341] : memref<160x128xi32, #tpu.memory_space<vmem>> -> memref<1x128xi32, #tpu.memory_space<vmem>>
      %dma_wait3A_343 = tpu.memref_squeeze %dma_wait3A_342 : memref<1x128xi32, #tpu.memory_space<vmem>> -> memref<128xi32, #tpu.memory_space<vmem>>
      %dma_wait3A_344 = arith.constant 0 : i32
      %dma_wait3A_345 = arith.constant 0 : i32
      %dma_wait3A_346 = tpu.memref_slice %arg2[%dma_wait3A_344, %dma_wait3A_345] : memref<16384x16xf32, #tpu.memory_space<hbm>> -> memref<16384x16xf32, #tpu.memory_space<hbm>>
      tpu.wait_indirect_dma semaphore(%arg7 : memref<!tpu.dma_semaphore, #tpu.memory_space<semaphore_mem>>) src(%dma_wait3A_346 : memref<16384x16xf32, #tpu.memory_space<hbm>>) dst(%dma_wait3A_340 : memref<128x16xf32, #tpu.memory_space<vmem>>)
      %mul3A_347 = arith.constant 16 : i32
      %mul3A_348 = arith.muli %scan3A_9, %mul3A_347 : i32
      %add3A_349 = arith.constant 10 : i32
      %add3A_350 = arith.addi %mul3A_348, %add3A_349 : i32
      %dma_wait3A_351 = arith.constant 1280 : i32
      %dma_wait3A_352 = arith.constant 0 : i32
      %dma_wait3A_353 = tpu.memref_slice %arg6[%dma_wait3A_351, %dma_wait3A_352] : memref<2048x16xf32, #tpu.memory_space<vmem>> -> memref<128x16xf32, #tpu.memory_space<vmem>>
      %dma_wait3A_354 = arith.constant 0 : i32
      %dma_wait3A_355 = tpu.memref_slice %arg5[%add3A_350, %dma_wait3A_354] : memref<160x128xi32, #tpu.memory_space<vmem>> -> memref<1x128xi32, #tpu.memory_space<vmem>>
      %dma_wait3A_356 = tpu.memref_squeeze %dma_wait3A_355 : memref<1x128xi32, #tpu.memory_space<vmem>> -> memref<128xi32, #tpu.memory_space<vmem>>
      %dma_wait3A_357 = arith.constant 0 : i32
      %dma_wait3A_358 = arith.constant 0 : i32
      %dma_wait3A_359 = tpu.memref_slice %arg2[%dma_wait3A_357, %dma_wait3A_358] : memref<16384x16xf32, #tpu.memory_space<hbm>> -> memref<16384x16xf32, #tpu.memory_space<hbm>>
      tpu.wait_indirect_dma semaphore(%arg7 : memref<!tpu.dma_semaphore, #tpu.memory_space<semaphore_mem>>) src(%dma_wait3A_359 : memref<16384x16xf32, #tpu.memory_space<hbm>>) dst(%dma_wait3A_353 : memref<128x16xf32, #tpu.memory_space<vmem>>)
      %mul3A_360 = arith.constant 16 : i32
      %mul3A_361 = arith.muli %scan3A_9, %mul3A_360 : i32
      %add3A_362 = arith.constant 11 : i32
      %add3A_363 = arith.addi %mul3A_361, %add3A_362 : i32
      %dma_wait3A_364 = arith.constant 1408 : i32
      %dma_wait3A_365 = arith.constant 0 : i32
      %dma_wait3A_366 = tpu.memref_slice %arg6[%dma_wait3A_364, %dma_wait3A_365] : memref<2048x16xf32, #tpu.memory_space<vmem>> -> memref<128x16xf32, #tpu.memory_space<vmem>>
      %dma_wait3A_367 = arith.constant 0 : i32
      %dma_wait3A_368 = tpu.memref_slice %arg5[%add3A_363, %dma_wait3A_367] : memref<160x128xi32, #tpu.memory_space<vmem>> -> memref<1x128xi32, #tpu.memory_space<vmem>>
      %dma_wait3A_369 = tpu.memref_squeeze %dma_wait3A_368 : memref<1x128xi32, #tpu.memory_space<vmem>> -> memref<128xi32, #tpu.memory_space<vmem>>
      %dma_wait3A_370 = arith.constant 0 : i32
      %dma_wait3A_371 = arith.constant 0 : i32
      %dma_wait3A_372 = tpu.memref_slice %arg2[%dma_wait3A_370, %dma_wait3A_371] : memref<16384x16xf32, #tpu.memory_space<hbm>> -> memref<16384x16xf32, #tpu.memory_space<hbm>>
      tpu.wait_indirect_dma semaphore(%arg7 : memref<!tpu.dma_semaphore, #tpu.memory_space<semaphore_mem>>) src(%dma_wait3A_372 : memref<16384x16xf32, #tpu.memory_space<hbm>>) dst(%dma_wait3A_366 : memref<128x16xf32, #tpu.memory_space<vmem>>)
      %mul3A_373 = arith.constant 16 : i32
      %mul3A_374 = arith.muli %scan3A_9, %mul3A_373 : i32
      %add3A_375 = arith.constant 12 : i32
      %add3A_376 = arith.addi %mul3A_374, %add3A_375 : i32
      %dma_wait3A_377 = arith.constant 1536 : i32
      %dma_wait3A_378 = arith.constant 0 : i32
      %dma_wait3A_379 = tpu.memref_slice %arg6[%dma_wait3A_377, %dma_wait3A_378] : memref<2048x16xf32, #tpu.memory_space<vmem>> -> memref<128x16xf32, #tpu.memory_space<vmem>>
      %dma_wait3A_380 = arith.constant 0 : i32
      %dma_wait3A_381 = tpu.memref_slice %arg5[%add3A_376, %dma_wait3A_380] : memref<160x128xi32, #tpu.memory_space<vmem>> -> memref<1x128xi32, #tpu.memory_space<vmem>>
      %dma_wait3A_382 = tpu.memref_squeeze %dma_wait3A_381 : memref<1x128xi32, #tpu.memory_space<vmem>> -> memref<128xi32, #tpu.memory_space<vmem>>
      %dma_wait3A_383 = arith.constant 0 : i32
      %dma_wait3A_384 = arith.constant 0 : i32
      %dma_wait3A_385 = tpu.memref_slice %arg2[%dma_wait3A_383, %dma_wait3A_384] : memref<16384x16xf32, #tpu.memory_space<hbm>> -> memref<16384x16xf32, #tpu.memory_space<hbm>>
      tpu.wait_indirect_dma semaphore(%arg7 : memref<!tpu.dma_semaphore, #tpu.memory_space<semaphore_mem>>) src(%dma_wait3A_385 : memref<16384x16xf32, #tpu.memory_space<hbm>>) dst(%dma_wait3A_379 : memref<128x16xf32, #tpu.memory_space<vmem>>)
      %mul3A_386 = arith.constant 16 : i32
      %mul3A_387 = arith.muli %scan3A_9, %mul3A_386 : i32
      %add3A_388 = arith.constant 13 : i32
      %add3A_389 = arith.addi %mul3A_387, %add3A_388 : i32
      %dma_wait3A_390 = arith.constant 1664 : i32
      %dma_wait3A_391 = arith.constant 0 : i32
      %dma_wait3A_392 = tpu.memref_slice %arg6[%dma_wait3A_390, %dma_wait3A_391] : memref<2048x16xf32, #tpu.memory_space<vmem>> -> memref<128x16xf32, #tpu.memory_space<vmem>>
      %dma_wait3A_393 = arith.constant 0 : i32
      %dma_wait3A_394 = tpu.memref_slice %arg5[%add3A_389, %dma_wait3A_393] : memref<160x128xi32, #tpu.memory_space<vmem>> -> memref<1x128xi32, #tpu.memory_space<vmem>>
      %dma_wait3A_395 = tpu.memref_squeeze %dma_wait3A_394 : memref<1x128xi32, #tpu.memory_space<vmem>> -> memref<128xi32, #tpu.memory_space<vmem>>
      %dma_wait3A_396 = arith.constant 0 : i32
      %dma_wait3A_397 = arith.constant 0 : i32
      %dma_wait3A_398 = tpu.memref_slice %arg2[%dma_wait3A_396, %dma_wait3A_397] : memref<16384x16xf32, #tpu.memory_space<hbm>> -> memref<16384x16xf32, #tpu.memory_space<hbm>>
      tpu.wait_indirect_dma semaphore(%arg7 : memref<!tpu.dma_semaphore, #tpu.memory_space<semaphore_mem>>) src(%dma_wait3A_398 : memref<16384x16xf32, #tpu.memory_space<hbm>>) dst(%dma_wait3A_392 : memref<128x16xf32, #tpu.memory_space<vmem>>)
      %mul3A_399 = arith.constant 16 : i32
      %mul3A_400 = arith.muli %scan3A_9, %mul3A_399 : i32
      %add3A_401 = arith.constant 14 : i32
      %add3A_402 = arith.addi %mul3A_400, %add3A_401 : i32
      %dma_wait3A_403 = arith.constant 1792 : i32
      %dma_wait3A_404 = arith.constant 0 : i32
      %dma_wait3A_405 = tpu.memref_slice %arg6[%dma_wait3A_403, %dma_wait3A_404] : memref<2048x16xf32, #tpu.memory_space<vmem>> -> memref<128x16xf32, #tpu.memory_space<vmem>>
      %dma_wait3A_406 = arith.constant 0 : i32
      %dma_wait3A_407 = tpu.memref_slice %arg5[%add3A_402, %dma_wait3A_406] : memref<160x128xi32, #tpu.memory_space<vmem>> -> memref<1x128xi32, #tpu.memory_space<vmem>>
      %dma_wait3A_408 = tpu.memref_squeeze %dma_wait3A_407 : memref<1x128xi32, #tpu.memory_space<vmem>> -> memref<128xi32, #tpu.memory_space<vmem>>
      %dma_wait3A_409 = arith.constant 0 : i32
      %dma_wait3A_410 = arith.constant 0 : i32
      %dma_wait3A_411 = tpu.memref_slice %arg2[%dma_wait3A_409, %dma_wait3A_410] : memref<16384x16xf32, #tpu.memory_space<hbm>> -> memref<16384x16xf32, #tpu.memory_space<hbm>>
      tpu.wait_indirect_dma semaphore(%arg7 : memref<!tpu.dma_semaphore, #tpu.memory_space<semaphore_mem>>) src(%dma_wait3A_411 : memref<16384x16xf32, #tpu.memory_space<hbm>>) dst(%dma_wait3A_405 : memref<128x16xf32, #tpu.memory_space<vmem>>)
      %mul3A_412 = arith.constant 16 : i32
      %mul3A_413 = arith.muli %scan3A_9, %mul3A_412 : i32
      %add3A_414 = arith.constant 15 : i32
      %add3A_415 = arith.addi %mul3A_413, %add3A_414 : i32
      %dma_wait3A_416 = arith.constant 1920 : i32
      %dma_wait3A_417 = arith.constant 0 : i32
      %dma_wait3A_418 = tpu.memref_slice %arg6[%dma_wait3A_416, %dma_wait3A_417] : memref<2048x16xf32, #tpu.memory_space<vmem>> -> memref<128x16xf32, #tpu.memory_space<vmem>>
      %dma_wait3A_419 = arith.constant 0 : i32
      %dma_wait3A_420 = tpu.memref_slice %arg5[%add3A_415, %dma_wait3A_419] : memref<160x128xi32, #tpu.memory_space<vmem>> -> memref<1x128xi32, #tpu.memory_space<vmem>>
      %dma_wait3A_421 = tpu.memref_squeeze %dma_wait3A_420 : memref<1x128xi32, #tpu.memory_space<vmem>> -> memref<128xi32, #tpu.memory_space<vmem>>
      %dma_wait3A_422 = arith.constant 0 : i32
      %dma_wait3A_423 = arith.constant 0 : i32
      %dma_wait3A_424 = tpu.memref_slice %arg2[%dma_wait3A_422, %dma_wait3A_423] : memref<16384x16xf32, #tpu.memory_space<hbm>> -> memref<16384x16xf32, #tpu.memory_space<hbm>>
      tpu.wait_indirect_dma semaphore(%arg7 : memref<!tpu.dma_semaphore, #tpu.memory_space<semaphore_mem>>) src(%dma_wait3A_424 : memref<16384x16xf32, #tpu.memory_space<hbm>>) dst(%dma_wait3A_418 : memref<128x16xf32, #tpu.memory_space<vmem>>)
      %mul3A_425 = arith.constant 16 : i32
      %mul3A_426 = arith.muli %scan3A_9, %mul3A_425 : i32
      %add3A_427 = arith.addi %mul3A_2, %mul3A_426 : i32
      %mul3A_428 = arith.constant 128 : i32
      %mul3A_429 = arith.muli %add3A_427, %mul3A_428 : i32
      "tpu.region"() ({
        %run_scoped3A = tpu.sem_alloc : memref<!tpu.dma_semaphore, #tpu.memory_space<semaphore_mem>>
        %dma_start3A_431 = arith.constant 0 : i32
        %dma_start3A_432 = tpu.memref_slice %arg4[%mul3A_429, %dma_start3A_431] : memref<655360x16xf32, #tpu.memory_space<hbm>> -> memref<2048x16xf32, #tpu.memory_space<hbm>>
        %dma_start3A_433 = arith.constant 0 : i32
        %dma_start3A_434 = tpu.memref_slice %arg4[%mul3A_429, %dma_start3A_433] : memref<655360x16xf32, #tpu.memory_space<hbm>> -> memref<2048x16xf32, #tpu.memory_space<hbm>>
        tpu.enqueue_dma source(%arg6 : memref<2048x16xf32, #tpu.memory_space<vmem>>) target(%dma_start3A_434 : memref<2048x16xf32, #tpu.memory_space<hbm>>) target_semaphore(%run_scoped3A : memref<!tpu.dma_semaphore, #tpu.memory_space<semaphore_mem>>)
        %dma_wait3A_435 = arith.constant 0 : i32
        %dma_wait3A_436 = tpu.memref_slice %arg4[%mul3A_429, %dma_wait3A_435] : memref<655360x16xf32, #tpu.memory_space<hbm>> -> memref<2048x16xf32, #tpu.memory_space<hbm>>
        %dma_wait3A_437 = arith.constant 0 : i32
        %dma_wait3A_438 = tpu.memref_slice %arg4[%mul3A_429, %dma_wait3A_437] : memref<655360x16xf32, #tpu.memory_space<hbm>> -> memref<2048x16xf32, #tpu.memory_space<hbm>>
        tpu.wait_dma2 semaphore(%run_scoped3A : memref<!tpu.dma_semaphore, #tpu.memory_space<semaphore_mem>>) src(%arg6 : memref<2048x16xf32, #tpu.memory_space<vmem>>) dst(%dma_wait3A_438 : memref<2048x16xf32, #tpu.memory_space<hbm>>)
        tpu.yield
      }) : () -> ()
      %scan3A_430 = arith.constant 0 : i32
      scf.yield %scan3A_430 : i32
    }
    %scan3A_8 = arith.constant 10 : i32
    return
  }
}

module attributes {stable_mosaic.version = 14 : i64} {
  func.func @_topk_body(%arg0: i32, %arg1: i32, %arg2: memref<1x8x2048xf32, #tpu.memory_space<vmem>>, %arg3: memref<1x512x16xf32, #tpu.memory_space<vmem>>, %arg4: memref<1x512x40xi32, #tpu.memory_space<vmem>>) attributes {dimension_semantics = [#tpu.dimension_semantics<arbitrary>, #tpu.dimension_semantics<arbitrary>], iteration_bounds = array<i64: 8, 4>, scalar_prefetch = 0 : i64, scratch_operands = 0 : i64, tpu.core_type = #tpu.core_type<tc>, window_params = [{transform_indices = @transform_0, window_bounds = array<i64: 1, 8, 2048>}, {transform_indices = @transform_1, window_bounds = array<i64: 1, 512, 16>}, {transform_indices = @transform_2, window_bounds = array<i64: 1, 512, 40>}]} {
    %get3A = arith.constant 0 : index
    %get3A_0 = arith.constant 0 : index
    %get3A_1 = arith.constant 0 : index
    %get3A_2 = vector.load %arg3[%get3A, %get3A_0, %get3A_1] : memref<1x512x16xf32, #tpu.memory_space<vmem>>, vector<1x512x16xf32>
    %get3A_3 = vector.shape_cast %get3A_2 : vector<1x512x16xf32> to vector<512x16xf32>
    %get3A_4 = arith.constant 0 : index
    %get3A_5 = arith.constant 0 : index
    %get3A_6 = arith.constant 0 : index
    %get3A_7 = vector.load %arg2[%get3A_4, %get3A_5, %get3A_6] : memref<1x8x2048xf32, #tpu.memory_space<vmem>>, vector<1x1x2048xf32>
    %get3A_8 = vector.shape_cast %get3A_7 : vector<1x1x2048xf32> to vector<1x2048xf32>
    %get3A_9 = arith.constant 0 : index
    %get3A_10 = arith.constant 1 : index
    %get3A_11 = arith.constant 0 : index
    %get3A_12 = vector.load %arg2[%get3A_9, %get3A_10, %get3A_11] : memref<1x8x2048xf32, #tpu.memory_space<vmem>>, vector<1x1x2048xf32>
    %get3A_13 = vector.shape_cast %get3A_12 : vector<1x1x2048xf32> to vector<1x2048xf32>
    %get3A_14 = arith.constant 0 : index
    %get3A_15 = arith.constant 2 : index
    %get3A_16 = arith.constant 0 : index
    %get3A_17 = vector.load %arg2[%get3A_14, %get3A_15, %get3A_16] : memref<1x8x2048xf32, #tpu.memory_space<vmem>>, vector<1x1x2048xf32>
    %get3A_18 = vector.shape_cast %get3A_17 : vector<1x1x2048xf32> to vector<1x2048xf32>
    %mul3A = arith.mulf %get3A_8, %get3A_8 : vector<1x2048xf32>
    %mul3A_19 = arith.mulf %get3A_13, %get3A_13 : vector<1x2048xf32>
    %add3A = arith.addf %mul3A, %mul3A_19 : vector<1x2048xf32>
    %mul3A_20 = arith.mulf %get3A_18, %get3A_18 : vector<1x2048xf32>
    %add3A_21 = arith.addf %add3A, %mul3A_20 : vector<1x2048xf32>
    %slice3A = vector.extract_strided_slice %get3A_3 {offsets = [0, 0], sizes = [512, 1], strides = [1, 1]} : vector<512x16xf32> to vector<512x1xf32>
    %slice3A_22 = vector.extract_strided_slice %get3A_3 {offsets = [0, 1], sizes = [512, 1], strides = [1, 1]} : vector<512x16xf32> to vector<512x1xf32>
    %slice3A_23 = vector.extract_strided_slice %get3A_3 {offsets = [0, 2], sizes = [512, 1], strides = [1, 1]} : vector<512x16xf32> to vector<512x1xf32>
    %mul3A_24 = arith.mulf %slice3A, %slice3A : vector<512x1xf32>
    %mul3A_25 = arith.mulf %slice3A_22, %slice3A_22 : vector<512x1xf32>
    %add3A_26 = arith.addf %mul3A_24, %mul3A_25 : vector<512x1xf32>
    %mul3A_27 = arith.mulf %slice3A_23, %slice3A_23 : vector<512x1xf32>
    %add3A_28 = arith.addf %add3A_26, %mul3A_27 : vector<512x1xf32>
    %convert_element_type3A = arith.truncf %slice3A : vector<512x1xf32> to vector<512x1xbf16>
    %convert_element_type3A_29 = arith.extf %convert_element_type3A : vector<512x1xbf16> to vector<512x1xf32>
    %convert_element_type3A_30 = arith.truncf %get3A_8 : vector<1x2048xf32> to vector<1x2048xbf16>
    %convert_element_type3A_31 = arith.extf %convert_element_type3A_30 : vector<1x2048xbf16> to vector<1x2048xf32>
    %mul3A_32 = vector.broadcast %convert_element_type3A_29 : vector<512x1xf32> to vector<512x2048xf32>
    %mul3A_33 = vector.broadcast %convert_element_type3A_31 : vector<1x2048xf32> to vector<512x2048xf32>
    %mul3A_34 = arith.mulf %mul3A_32, %mul3A_33 : vector<512x2048xf32>
    %convert_element_type3A_35 = arith.truncf %slice3A_22 : vector<512x1xf32> to vector<512x1xbf16>
    %convert_element_type3A_36 = arith.extf %convert_element_type3A_35 : vector<512x1xbf16> to vector<512x1xf32>
    %convert_element_type3A_37 = arith.truncf %get3A_13 : vector<1x2048xf32> to vector<1x2048xbf16>
    %convert_element_type3A_38 = arith.extf %convert_element_type3A_37 : vector<1x2048xbf16> to vector<1x2048xf32>
    %mul3A_39 = vector.broadcast %convert_element_type3A_36 : vector<512x1xf32> to vector<512x2048xf32>
    %mul3A_40 = vector.broadcast %convert_element_type3A_38 : vector<1x2048xf32> to vector<512x2048xf32>
    %mul3A_41 = arith.mulf %mul3A_39, %mul3A_40 : vector<512x2048xf32>
    %add3A_42 = arith.addf %mul3A_34, %mul3A_41 : vector<512x2048xf32>
    %convert_element_type3A_43 = arith.truncf %slice3A_23 : vector<512x1xf32> to vector<512x1xbf16>
    %convert_element_type3A_44 = arith.extf %convert_element_type3A_43 : vector<512x1xbf16> to vector<512x1xf32>
    %convert_element_type3A_45 = arith.truncf %get3A_18 : vector<1x2048xf32> to vector<1x2048xbf16>
    %convert_element_type3A_46 = arith.extf %convert_element_type3A_45 : vector<1x2048xbf16> to vector<1x2048xf32>
    %mul3A_47 = vector.broadcast %convert_element_type3A_44 : vector<512x1xf32> to vector<512x2048xf32>
    %mul3A_48 = vector.broadcast %convert_element_type3A_46 : vector<1x2048xf32> to vector<512x2048xf32>
    %mul3A_49 = arith.mulf %mul3A_47, %mul3A_48 : vector<512x2048xf32>
    %add3A_50 = arith.addf %add3A_42, %mul3A_49 : vector<512x2048xf32>
    %neg3A = arith.constant 0.000000e+00 : f32
    %neg3A_51 = vector.broadcast %neg3A : f32 to vector<1x2048xf32>
    %neg3A_52 = arith.subf %neg3A_51, %add3A_21 : vector<1x2048xf32>
    %mul3A_53 = arith.constant 2.000000e+00 : f32
    %mul3A_54 = vector.broadcast %mul3A_53 : f32 to vector<512x2048xf32>
    %mul3A_55 = arith.mulf %mul3A_54, %add3A_50 : vector<512x2048xf32>
    %add3A_56 = vector.broadcast %neg3A_52 : vector<1x2048xf32> to vector<512x2048xf32>
    %add3A_57 = arith.addf %add3A_56, %mul3A_55 : vector<512x2048xf32>
    %sub3A = vector.broadcast %add3A_28 : vector<512x1xf32> to vector<512x2048xf32>
    %sub3A_58 = arith.subf %add3A_57, %sub3A : vector<512x2048xf32>
    %iota3A = tpu.iota {dimensions = array<i32: 1>} : vector<512x2048xi32>
    %iota3A_59 = tpu.iota {dimensions = array<i32: 1>} : vector<512x40xi32>
    %broadcast_in_dim3A = arith.constant 0 : i32
    %broadcast_in_dim3A_60 = vector.broadcast %broadcast_in_dim3A : i32 to vector<512x40xi32>
    %scan3A = arith.constant 0 : i32
    %scan3A_61 = arith.constant 40 : i32
    %scan3A_62 = arith.addi %scan3A, %scan3A_61 : i32
    %scan3A_63 = arith.constant 1 : i32
    %scan3A_64:2 = scf.for %scan3A_71 = %scan3A to %scan3A_62 step %scan3A_63 iter_args(%scan3A_72 = %sub3A_58, %scan3A_73 = %broadcast_in_dim3A_60) -> (vector<512x2048xf32>, vector<512x40xi32>)  : i32 {
      %reduce_max3A = arith.constant dense<0xFF800000> : vector<512xf32>
      %reduce_max3A_74 = vector.multi_reduction <maximumf>, %scan3A_72, %reduce_max3A [1] : vector<512x2048xf32> to vector<512xf32>
      %broadcast_in_dim3A_75 = vector.shape_cast %reduce_max3A_74 : vector<512xf32> to vector<512x1xf32>
      %eq3A = vector.broadcast %broadcast_in_dim3A_75 : vector<512x1xf32> to vector<512x2048xf32>
      %eq3A_76 = arith.cmpf oeq, %scan3A_72, %eq3A : vector<512x2048xf32>
      %jit3A = arith.constant 2048 : i32
      %broadcast_in_dim3A_77 = vector.broadcast %jit3A : i32 to vector<512x2048xi32>
      %select_n3A = arith.select %eq3A_76, %iota3A, %broadcast_in_dim3A_77 : vector<512x2048xi1>, vector<512x2048xi32>
      %reduce_min3A = arith.constant dense<2147483647> : vector<512xi32>
      %reduce_min3A_78 = vector.multi_reduction <minsi>, %select_n3A, %reduce_min3A [1] : vector<512x2048xi32> to vector<512xi32>
      %broadcast_in_dim3A_79 = vector.shape_cast %reduce_min3A_78 : vector<512xi32> to vector<512x1xi32>
      %eq3A_80 = vector.broadcast %scan3A_71 : i32 to vector<512x40xi32>
      %eq3A_81 = arith.cmpi eq, %iota3A_59, %eq3A_80 : vector<512x40xi32>
      %broadcast_in_dim3A_82 = vector.shape_cast %broadcast_in_dim3A_79 : vector<512x1xi32> to vector<512x1xi32>
      %broadcast_in_dim3A_83 = vector.broadcast %broadcast_in_dim3A_82 : vector<512x1xi32> to vector<512x40xi32>
      %select_n3A_84 = arith.select %eq3A_81, %broadcast_in_dim3A_83, %scan3A_73 : vector<512x40xi1>, vector<512x40xi32>
      %eq3A_85 = vector.broadcast %broadcast_in_dim3A_79 : vector<512x1xi32> to vector<512x2048xi32>
      %eq3A_86 = arith.cmpi eq, %iota3A, %eq3A_85 : vector<512x2048xi32>
      %jit3A_87 = arith.constant 0xFF800000 : f32
      %broadcast_in_dim3A_88 = vector.broadcast %jit3A_87 : f32 to vector<512x2048xf32>
      %select_n3A_89 = arith.select %eq3A_86, %broadcast_in_dim3A_88, %scan3A_72 : vector<512x2048xi1>, vector<512x2048xf32>
      scf.yield %select_n3A_89, %select_n3A_84 : vector<512x2048xf32>, vector<512x40xi32>
    }
    %scan3A_65 = arith.constant 40 : i32
    %swap3A = arith.constant 0 : index
    %swap3A_66 = arith.constant 0 : index
    %swap3A_67 = arith.constant 0 : index
    %swap3A_68 = vector.load %arg4[%swap3A, %swap3A_66, %swap3A_67] : memref<1x512x40xi32, #tpu.memory_space<vmem>>, vector<1x512x40xi32>
    %swap3A_69 = vector.shape_cast %swap3A_68 : vector<1x512x40xi32> to vector<512x40xi32>
    %swap3A_70 = vector.shape_cast %scan3A_64#1 : vector<512x40xi32> to vector<1x512x40xi32>
    tpu.vector_store %arg4[%swap3A, %swap3A_66, %swap3A_67], %swap3A_70 {strides = array<i32>} : memref<1x512x40xi32, #tpu.memory_space<vmem>>, vector<1x512x40xi32>,
    return
  }
  func.func @transform_0(%arg0: i32, %arg1: i32) -> (i32, i32, i32) {
    %c0_i32 = arith.constant 0 : i32
    %c0_i32_0 = arith.constant 0 : i32
    %c0_i32_1 = arith.constant 0 : i32
    return %arg0, %c0_i32, %c0_i32_0 : i32, i32, i32
  }
  func.func @transform_1(%arg0: i32, %arg1: i32) -> (i32, i32, i32) {
    %c0_i32 = arith.constant 0 : i32
    %c0_i32_0 = arith.constant 0 : i32
    return %arg0, %arg1, %c0_i32 : i32, i32, i32
  }
  func.func @transform_2(%arg0: i32, %arg1: i32) -> (i32, i32, i32) {
    %c0_i32 = arith.constant 0 : i32
    %c0_i32_0 = arith.constant 0 : i32
    return %arg0, %arg1, %c0_i32 : i32, i32, i32
  }
}

module attributes {stable_mosaic.version = 14 : i64} {
  func.func @_branch_body(%arg0: i32, %arg1: i32, %arg2: memref<1x1x5120x128xf32, #tpu.memory_space<vmem>>, %arg3: memref<1x256x128xf32, #tpu.memory_space<vmem>>, %arg4: memref<1x256x128xf32, #tpu.memory_space<vmem>>, %arg5: memref<1x128x512xf32, #tpu.memory_space<vmem>>, %arg6: memref<1x512x512xf32, #tpu.memory_space<vmem>>, %arg7: memref<1x1024x512xf32, #tpu.memory_space<vmem>>, %arg8: memref<1x6x64xf32, #tpu.memory_space<vmem>>, %arg9: memref<1x4x64xf32, #tpu.memory_space<vmem>>, %arg10: memref<1x64x4xf32, #tpu.memory_space<vmem>>, %arg11: memref<1x1x256x512xf32, #tpu.memory_space<vmem>>) attributes {dimension_semantics = [#tpu.dimension_semantics<arbitrary>, #tpu.dimension_semantics<arbitrary>], iteration_bounds = array<i64: 2, 8>, scalar_prefetch = 0 : i64, scratch_operands = 0 : i64, tpu.core_type = #tpu.core_type<tc>, window_params = [{transform_indices = @transform_0, window_bounds = array<i64: 1, 1, 5120, 128>}, {transform_indices = @transform_1, window_bounds = array<i64: 1, 256, 128>}, {transform_indices = @transform_2, window_bounds = array<i64: 1, 256, 128>}, {transform_indices = @transform_3, window_bounds = array<i64: 1, 128, 512>}, {transform_indices = @transform_4, window_bounds = array<i64: 1, 512, 512>}, {transform_indices = @transform_5, window_bounds = array<i64: 1, 1024, 512>}, {transform_indices = @transform_6, window_bounds = array<i64: 1, 6, 64>}, {transform_indices = @transform_7, window_bounds = array<i64: 1, 4, 64>}, {transform_indices = @transform_8, window_bounds = array<i64: 1, 64, 4>}, {transform_indices = @transform_9, window_bounds = array<i64: 1, 1, 256, 512>}]} {
    %get3A = arith.constant 0 : index
    %get3A_0 = arith.constant 0 : index
    %get3A_1 = arith.constant 0 : index
    %get3A_2 = arith.constant 0 : index
    %get3A_3 = vector.load %arg2[%get3A, %get3A_0, %get3A_1, %get3A_2] : memref<1x1x5120x128xf32, #tpu.memory_space<vmem>>, vector<1x1x5120x128xf32>
    %get3A_4 = vector.shape_cast %get3A_3 : vector<1x1x5120x128xf32> to vector<5120x128xf32>
    %get3A_5 = arith.constant 0 : index
    %get3A_6 = arith.constant 0 : index
    %get3A_7 = arith.constant 0 : index
    %get3A_8 = vector.load %arg3[%get3A_5, %get3A_6, %get3A_7] : memref<1x256x128xf32, #tpu.memory_space<vmem>>, vector<1x256x128xf32>
    %get3A_9 = vector.shape_cast %get3A_8 : vector<1x256x128xf32> to vector<256x128xf32>
    %get3A_10 = arith.constant 0 : index
    %get3A_11 = arith.constant 0 : index
    %get3A_12 = arith.constant 0 : index
    %get3A_13 = vector.load %arg4[%get3A_10, %get3A_11, %get3A_12] : memref<1x256x128xf32, #tpu.memory_space<vmem>>, vector<1x256x128xf32>
    %get3A_14 = vector.shape_cast %get3A_13 : vector<1x256x128xf32> to vector<256x128xf32>
    %reshape3A = vector.shape_cast %get3A_4 : vector<5120x128xf32> to vector<20x256x128xf32>
    %broadcast_in_dim3A = vector.shape_cast %get3A_9 : vector<256x128xf32> to vector<1x256x128xf32>
    %sub3A = vector.broadcast %broadcast_in_dim3A : vector<1x256x128xf32> to vector<20x256x128xf32>
    %sub3A_15 = arith.subf %reshape3A, %sub3A : vector<20x256x128xf32>
    %broadcast_in_dim3A_16 = vector.shape_cast %get3A_14 : vector<256x128xf32> to vector<1x256x128xf32>
    %add3A = vector.broadcast %broadcast_in_dim3A_16 : vector<1x256x128xf32> to vector<20x256x128xf32>
    %add3A_17 = arith.addf %sub3A_15, %add3A : vector<20x256x128xf32>
    %reshape3A_18 = vector.shape_cast %add3A_17 : vector<20x256x128xf32> to vector<5120x128xf32>
    %get3A_19 = arith.constant 0 : index
    %get3A_20 = arith.constant 0 : index
    %get3A_21 = arith.constant 0 : index
    %get3A_22 = vector.load %arg5[%get3A_19, %get3A_20, %get3A_21] : memref<1x128x512xf32, #tpu.memory_space<vmem>>, vector<1x128x512xf32>
    %get3A_23 = vector.shape_cast %get3A_22 : vector<1x128x512xf32> to vector<128x512xf32>
    %dot_general3A = arith.constant dense<0.000000e+00> : vector<5120x512xf32>
    %dot_general3A_24 = tpu.matmul %reshape3A_18, %get3A_23, %dot_general3A {dimension_numbers = #tpu.dot_dimension_numbers<[1], [0], [0], [1], [0, 0, 1, 1], [], []>, transpose_lhs_hint = false} : vector<5120x128xf32>, vector<128x512xf32>, vector<5120x512xf32> -> vector<5120x512xf32>
    %get3A_25 = arith.constant 0 : index
    %get3A_26 = arith.constant 0 : index
    %get3A_27 = arith.constant 0 : index
    %get3A_28 = vector.load %arg8[%get3A_25, %get3A_26, %get3A_27] : memref<1x6x64xf32, #tpu.memory_space<vmem>>, vector<1x1x64xf32>
    %get3A_29 = vector.shape_cast %get3A_28 : vector<1x1x64xf32> to vector<1x64xf32>
    %get3A_30 = arith.constant 0 : index
    %get3A_31 = arith.constant 1 : index
    %get3A_32 = arith.constant 0 : index
    %get3A_33 = vector.load %arg8[%get3A_30, %get3A_31, %get3A_32] : memref<1x6x64xf32, #tpu.memory_space<vmem>>, vector<1x1x64xf32>
    %get3A_34 = vector.shape_cast %get3A_33 : vector<1x1x64xf32> to vector<1x64xf32>
    %reduce_sum3A = arith.constant dense<0.000000e+00> : vector<512xf32>
    %reduce_sum3A_35 = vector.multi_reduction <add>, %dot_general3A_24, %reduce_sum3A [0] : vector<5120x512xf32> to vector<512xf32>
    %broadcast_in_dim3A_36 = vector.shape_cast %reduce_sum3A_35 : vector<512xf32> to vector<1x512xf32>
    %slice3A = vector.extract_strided_slice %broadcast_in_dim3A_36 {offsets = [0, 0], sizes = [1, 256], strides = [1, 1]} : vector<1x512xf32> to vector<1x256xf32>
    %slice3A_37 = vector.extract_strided_slice %broadcast_in_dim3A_36 {offsets = [0, 256], sizes = [1, 256], strides = [1, 1]} : vector<1x512xf32> to vector<1x256xf32>
    %add3A_38 = arith.addf %slice3A, %slice3A_37 : vector<1x256xf32>
    %slice3A_39 = vector.extract_strided_slice %add3A_38 {offsets = [0, 0], sizes = [1, 128], strides = [1, 1]} : vector<1x256xf32> to vector<1x128xf32>
    %slice3A_40 = vector.extract_strided_slice %add3A_38 {offsets = [0, 128], sizes = [1, 128], strides = [1, 1]} : vector<1x256xf32> to vector<1x128xf32>
    %add3A_41 = arith.addf %slice3A_39, %slice3A_40 : vector<1x128xf32>
    %slice3A_42 = vector.extract_strided_slice %add3A_41 {offsets = [0, 0], sizes = [1, 64], strides = [1, 1]} : vector<1x128xf32> to vector<1x64xf32>
    %slice3A_43 = vector.extract_strided_slice %add3A_41 {offsets = [0, 64], sizes = [1, 64], strides = [1, 1]} : vector<1x128xf32> to vector<1x64xf32>
    %add3A_44 = arith.addf %slice3A_42, %slice3A_43 : vector<1x64xf32>
    %mul3A = arith.mulf %dot_general3A_24, %dot_general3A_24 : vector<5120x512xf32>
    %reduce_sum3A_45 = arith.constant dense<0.000000e+00> : vector<512xf32>
    %reduce_sum3A_46 = vector.multi_reduction <add>, %mul3A, %reduce_sum3A_45 [0] : vector<5120x512xf32> to vector<512xf32>
    %broadcast_in_dim3A_47 = vector.shape_cast %reduce_sum3A_46 : vector<512xf32> to vector<1x512xf32>
    %slice3A_48 = vector.extract_strided_slice %broadcast_in_dim3A_47 {offsets = [0, 0], sizes = [1, 256], strides = [1, 1]} : vector<1x512xf32> to vector<1x256xf32>
    %slice3A_49 = vector.extract_strided_slice %broadcast_in_dim3A_47 {offsets = [0, 256], sizes = [1, 256], strides = [1, 1]} : vector<1x512xf32> to vector<1x256xf32>
    %add3A_50 = arith.addf %slice3A_48, %slice3A_49 : vector<1x256xf32>
    %slice3A_51 = vector.extract_strided_slice %add3A_50 {offsets = [0, 0], sizes = [1, 128], strides = [1, 1]} : vector<1x256xf32> to vector<1x128xf32>
    %slice3A_52 = vector.extract_strided_slice %add3A_50 {offsets = [0, 128], sizes = [1, 128], strides = [1, 1]} : vector<1x256xf32> to vector<1x128xf32>
    %add3A_53 = arith.addf %slice3A_51, %slice3A_52 : vector<1x128xf32>
    %slice3A_54 = vector.extract_strided_slice %add3A_53 {offsets = [0, 0], sizes = [1, 64], strides = [1, 1]} : vector<1x128xf32> to vector<1x64xf32>
    %slice3A_55 = vector.extract_strided_slice %add3A_53 {offsets = [0, 64], sizes = [1, 64], strides = [1, 1]} : vector<1x128xf32> to vector<1x64xf32>
    %add3A_56 = arith.addf %slice3A_54, %slice3A_55 : vector<1x64xf32>
    %slice3A_57 = vector.extract_strided_slice %add3A_44 {offsets = [0, 1], sizes = [1, 63], strides = [1, 1]} : vector<1x64xf32> to vector<1x63xf32>
    %slice3A_58 = vector.extract_strided_slice %add3A_44 {offsets = [0, 0], sizes = [1, 1], strides = [1, 1]} : vector<1x64xf32> to vector<1x1xf32>
    %concatenate3A = tpu.concatenate %slice3A_57, %slice3A_58 in 1 : vector<1x63xf32>, vector<1x1xf32> -> vector<1x64xf32>
    %slice3A_59 = vector.extract_strided_slice %add3A_44 {offsets = [0, 63], sizes = [1, 1], strides = [1, 1]} : vector<1x64xf32> to vector<1x1xf32>
    %slice3A_60 = vector.extract_strided_slice %add3A_44 {offsets = [0, 0], sizes = [1, 63], strides = [1, 1]} : vector<1x64xf32> to vector<1x63xf32>
    %concatenate3A_61 = tpu.concatenate %slice3A_59, %slice3A_60 in 1 : vector<1x1xf32>, vector<1x63xf32> -> vector<1x64xf32>
    %iota3A = tpu.iota {dimensions = array<i32: 1>} : vector<1x64xi32>
    %jit3A = arith.constant 2 : i32
    %eq3A = arith.constant 0 : i32
    %eq3A_62 = arith.cmpi eq, %jit3A, %eq3A : i32
    %jit3A_63 = arith.constant 1 : i32
    %select_n3A = arith.select %eq3A_62, %jit3A_63, %jit3A : i32
    %rem3A = vector.broadcast %select_n3A : i32 to vector<1x64xi32>
    %rem3A_64 = arith.remsi %iota3A, %rem3A : vector<1x64xi32>
    %ne3A = arith.constant 0 : i32
    %ne3A_65 = vector.broadcast %ne3A : i32 to vector<1x64xi32>
    %ne3A_66 = arith.cmpi ne, %rem3A_64, %ne3A_65 : vector<1x64xi32>
    %lt3A = arith.constant 0 : i32
    %lt3A_67 = vector.broadcast %lt3A : i32 to vector<1x64xi32>
    %lt3A_68 = arith.cmpi slt, %rem3A_64, %lt3A_67 : vector<1x64xi32>
    %lt3A_69 = arith.constant 0 : i32
    %lt3A_70 = arith.cmpi slt, %select_n3A, %lt3A_69 : i32
    %ne3A_71 = vector.broadcast %lt3A_70 : i1 to vector<1x64xi1>
    %ne3A_72 = vector.broadcast %ne3A_71 : vector<1x64xi1> to vector<1x64xi1>
    %ne3A_73 = arith.xori %lt3A_68, %ne3A_72 : vector<1x64xi1>
    %and3A = arith.andi %ne3A_73, %ne3A_66 : vector<1x64xi1>
    %add3A_74 = vector.broadcast %select_n3A : i32 to vector<1x64xi32>
    %add3A_75 = arith.addi %rem3A_64, %add3A_74 : vector<1x64xi32>
    %select_n3A_76 = arith.select %and3A, %add3A_75, %rem3A_64 : vector<1x64xi1>, vector<1x64xi32>
    %eq3A_77 = arith.constant 0 : i32
    %eq3A_78 = vector.broadcast %eq3A_77 : i32 to vector<1x64xi32>
    %eq3A_79 = arith.cmpi eq, %select_n3A_76, %eq3A_78 : vector<1x64xi32>
    %select_n3A_80 = arith.select %eq3A_79, %concatenate3A, %concatenate3A_61 : vector<1x64xi1>, vector<1x64xf32>
    %add3A_81 = arith.addf %add3A_44, %select_n3A_80 : vector<1x64xf32>
    %slice3A_82 = vector.extract_strided_slice %add3A_56 {offsets = [0, 1], sizes = [1, 63], strides = [1, 1]} : vector<1x64xf32> to vector<1x63xf32>
    %slice3A_83 = vector.extract_strided_slice %add3A_56 {offsets = [0, 0], sizes = [1, 1], strides = [1, 1]} : vector<1x64xf32> to vector<1x1xf32>
    %concatenate3A_84 = tpu.concatenate %slice3A_82, %slice3A_83 in 1 : vector<1x63xf32>, vector<1x1xf32> -> vector<1x64xf32>
    %slice3A_85 = vector.extract_strided_slice %add3A_56 {offsets = [0, 63], sizes = [1, 1], strides = [1, 1]} : vector<1x64xf32> to vector<1x1xf32>
    %slice3A_86 = vector.extract_strided_slice %add3A_56 {offsets = [0, 0], sizes = [1, 63], strides = [1, 1]} : vector<1x64xf32> to vector<1x63xf32>
    %concatenate3A_87 = tpu.concatenate %slice3A_85, %slice3A_86 in 1 : vector<1x1xf32>, vector<1x63xf32> -> vector<1x64xf32>
    %iota3A_88 = tpu.iota {dimensions = array<i32: 1>} : vector<1x64xi32>
    %jit3A_89 = arith.constant 2 : i32
    %eq3A_90 = arith.constant 0 : i32
    %eq3A_91 = arith.cmpi eq, %jit3A_89, %eq3A_90 : i32
    %jit3A_92 = arith.constant 1 : i32
    %select_n3A_93 = arith.select %eq3A_91, %jit3A_92, %jit3A_89 : i32
    %rem3A_94 = vector.broadcast %select_n3A_93 : i32 to vector<1x64xi32>
    %rem3A_95 = arith.remsi %iota3A_88, %rem3A_94 : vector<1x64xi32>
    %ne3A_96 = arith.constant 0 : i32
    %ne3A_97 = vector.broadcast %ne3A_96 : i32 to vector<1x64xi32>
    %ne3A_98 = arith.cmpi ne, %rem3A_95, %ne3A_97 : vector<1x64xi32>
    %lt3A_99 = arith.constant 0 : i32
    %lt3A_100 = vector.broadcast %lt3A_99 : i32 to vector<1x64xi32>
    %lt3A_101 = arith.cmpi slt, %rem3A_95, %lt3A_100 : vector<1x64xi32>
    %lt3A_102 = arith.constant 0 : i32
    %lt3A_103 = arith.cmpi slt, %select_n3A_93, %lt3A_102 : i32
    %ne3A_104 = vector.broadcast %lt3A_103 : i1 to vector<1x64xi1>
    %ne3A_105 = vector.broadcast %ne3A_104 : vector<1x64xi1> to vector<1x64xi1>
    %ne3A_106 = arith.xori %lt3A_101, %ne3A_105 : vector<1x64xi1>
    %and3A_107 = arith.andi %ne3A_106, %ne3A_98 : vector<1x64xi1>
    %add3A_108 = vector.broadcast %select_n3A_93 : i32 to vector<1x64xi32>
    %add3A_109 = arith.addi %rem3A_95, %add3A_108 : vector<1x64xi32>
    %select_n3A_110 = arith.select %and3A_107, %add3A_109, %rem3A_95 : vector<1x64xi1>, vector<1x64xi32>
    %eq3A_111 = arith.constant 0 : i32
    %eq3A_112 = vector.broadcast %eq3A_111 : i32 to vector<1x64xi32>
    %eq3A_113 = arith.cmpi eq, %select_n3A_110, %eq3A_112 : vector<1x64xi32>
    %select_n3A_114 = arith.select %eq3A_113, %concatenate3A_84, %concatenate3A_87 : vector<1x64xi1>, vector<1x64xf32>
    %add3A_115 = arith.addf %add3A_56, %select_n3A_114 : vector<1x64xf32>
    %div3A = arith.constant 8.192000e+04 : f32
    %div3A_116 = vector.broadcast %div3A : f32 to vector<1x64xf32>
    %div3A_117 = arith.divf %add3A_81, %div3A_116 : vector<1x64xf32>
    %div3A_118 = arith.constant 8.192000e+04 : f32
    %div3A_119 = vector.broadcast %div3A_118 : f32 to vector<1x64xf32>
    %div3A_120 = arith.divf %add3A_115, %div3A_119 : vector<1x64xf32>
    %mul3A_121 = arith.mulf %div3A_117, %div3A_117 : vector<1x64xf32>
    %sub3A_122 = arith.subf %div3A_120, %mul3A_121 : vector<1x64xf32>
    %add3A_123 = arith.constant 9.99999974E-6 : f32
    %add3A_124 = vector.broadcast %add3A_123 : f32 to vector<1x64xf32>
    %add3A_125 = arith.addf %sub3A_122, %add3A_124 : vector<1x64xf32>
    %rsqrt3A = math.rsqrt %add3A_125 : vector<1x64xf32>
    %mul3A_126 = arith.mulf %get3A_29, %rsqrt3A : vector<1x64xf32>
    %mul3A_127 = arith.mulf %div3A_117, %mul3A_126 : vector<1x64xf32>
    %sub3A_128 = arith.subf %get3A_34, %mul3A_127 : vector<1x64xf32>
    %concatenate3A_129 = tpu.concatenate %mul3A_126, %mul3A_126, %mul3A_126, %mul3A_126, %mul3A_126, %mul3A_126, %mul3A_126, %mul3A_126 in 1 : vector<1x64xf32>, vector<1x64xf32>, vector<1x64xf32>, vector<1x64xf32>, vector<1x64xf32>, vector<1x64xf32>, vector<1x64xf32>, vector<1x64xf32> -> vector<1x512xf32>
    %mul3A_130 = vector.broadcast %concatenate3A_129 : vector<1x512xf32> to vector<5120x512xf32>
    %mul3A_131 = arith.mulf %dot_general3A_24, %mul3A_130 : vector<5120x512xf32>
    %concatenate3A_132 = tpu.concatenate %sub3A_128, %sub3A_128, %sub3A_128, %sub3A_128, %sub3A_128, %sub3A_128, %sub3A_128, %sub3A_128 in 1 : vector<1x64xf32>, vector<1x64xf32>, vector<1x64xf32>, vector<1x64xf32>, vector<1x64xf32>, vector<1x64xf32>, vector<1x64xf32>, vector<1x64xf32> -> vector<1x512xf32>
    %add3A_133 = vector.broadcast %concatenate3A_132 : vector<1x512xf32> to vector<5120x512xf32>
    %add3A_134 = arith.addf %mul3A_131, %add3A_133 : vector<5120x512xf32>
    %ge3A = arith.constant 0.000000e+00 : f32
    %ge3A_135 = vector.broadcast %ge3A : f32 to vector<5120x512xf32>
    %ge3A_136 = arith.cmpf oge, %add3A_134, %ge3A_135 : vector<5120x512xf32>
    %mul3A_137 = arith.constant 2.000000e-01 : f32
    %mul3A_138 = vector.broadcast %mul3A_137 : f32 to vector<5120x512xf32>
    %mul3A_139 = arith.mulf %mul3A_138, %add3A_134 : vector<5120x512xf32>
    %select_n3A_140 = arith.select %ge3A_136, %add3A_134, %mul3A_139 : vector<5120x512xi1>, vector<5120x512xf32>
    %get3A_141 = arith.constant 0 : index
    %get3A_142 = arith.constant 0 : index
    %get3A_143 = arith.constant 0 : index
    %get3A_144 = vector.load %arg6[%get3A_141, %get3A_142, %get3A_143] : memref<1x512x512xf32, #tpu.memory_space<vmem>>, vector<1x512x512xf32>
    %get3A_145 = vector.shape_cast %get3A_144 : vector<1x512x512xf32> to vector<512x512xf32>
    %dot_general3A_146 = arith.constant dense<0.000000e+00> : vector<5120x512xf32>
    %dot_general3A_147 = tpu.matmul %select_n3A_140, %get3A_145, %dot_general3A_146 {dimension_numbers = #tpu.dot_dimension_numbers<[1], [0], [0], [1], [0, 0, 1, 1], [], []>, transpose_lhs_hint = false} : vector<5120x512xf32>, vector<512x512xf32>, vector<5120x512xf32> -> vector<5120x512xf32>
    %get3A_148 = arith.constant 0 : index
    %get3A_149 = arith.constant 2 : index
    %get3A_150 = arith.constant 0 : index
    %get3A_151 = vector.load %arg8[%get3A_148, %get3A_149, %get3A_150] : memref<1x6x64xf32, #tpu.memory_space<vmem>>, vector<1x1x64xf32>
    %get3A_152 = vector.shape_cast %get3A_151 : vector<1x1x64xf32> to vector<1x64xf32>
    %get3A_153 = arith.constant 0 : index
    %get3A_154 = arith.constant 3 : index
    %get3A_155 = arith.constant 0 : index
    %get3A_156 = vector.load %arg8[%get3A_153, %get3A_154, %get3A_155] : memref<1x6x64xf32, #tpu.memory_space<vmem>>, vector<1x1x64xf32>
    %get3A_157 = vector.shape_cast %get3A_156 : vector<1x1x64xf32> to vector<1x64xf32>
    %reduce_sum3A_158 = arith.constant dense<0.000000e+00> : vector<512xf32>
    %reduce_sum3A_159 = vector.multi_reduction <add>, %dot_general3A_147, %reduce_sum3A_158 [0] : vector<5120x512xf32> to vector<512xf32>
    %broadcast_in_dim3A_160 = vector.shape_cast %reduce_sum3A_159 : vector<512xf32> to vector<1x512xf32>
    %slice3A_161 = vector.extract_strided_slice %broadcast_in_dim3A_160 {offsets = [0, 0], sizes = [1, 256], strides = [1, 1]} : vector<1x512xf32> to vector<1x256xf32>
    %slice3A_162 = vector.extract_strided_slice %broadcast_in_dim3A_160 {offsets = [0, 256], sizes = [1, 256], strides = [1, 1]} : vector<1x512xf32> to vector<1x256xf32>
    %add3A_163 = arith.addf %slice3A_161, %slice3A_162 : vector<1x256xf32>
    %slice3A_164 = vector.extract_strided_slice %add3A_163 {offsets = [0, 0], sizes = [1, 128], strides = [1, 1]} : vector<1x256xf32> to vector<1x128xf32>
    %slice3A_165 = vector.extract_strided_slice %add3A_163 {offsets = [0, 128], sizes = [1, 128], strides = [1, 1]} : vector<1x256xf32> to vector<1x128xf32>
    %add3A_166 = arith.addf %slice3A_164, %slice3A_165 : vector<1x128xf32>
    %slice3A_167 = vector.extract_strided_slice %add3A_166 {offsets = [0, 0], sizes = [1, 64], strides = [1, 1]} : vector<1x128xf32> to vector<1x64xf32>
    %slice3A_168 = vector.extract_strided_slice %add3A_166 {offsets = [0, 64], sizes = [1, 64], strides = [1, 1]} : vector<1x128xf32> to vector<1x64xf32>
    %add3A_169 = arith.addf %slice3A_167, %slice3A_168 : vector<1x64xf32>
    %mul3A_170 = arith.mulf %dot_general3A_147, %dot_general3A_147 : vector<5120x512xf32>
    %reduce_sum3A_171 = arith.constant dense<0.000000e+00> : vector<512xf32>
    %reduce_sum3A_172 = vector.multi_reduction <add>, %mul3A_170, %reduce_sum3A_171 [0] : vector<5120x512xf32> to vector<512xf32>
    %broadcast_in_dim3A_173 = vector.shape_cast %reduce_sum3A_172 : vector<512xf32> to vector<1x512xf32>
    %slice3A_174 = vector.extract_strided_slice %broadcast_in_dim3A_173 {offsets = [0, 0], sizes = [1, 256], strides = [1, 1]} : vector<1x512xf32> to vector<1x256xf32>
    %slice3A_175 = vector.extract_strided_slice %broadcast_in_dim3A_173 {offsets = [0, 256], sizes = [1, 256], strides = [1, 1]} : vector<1x512xf32> to vector<1x256xf32>
    %add3A_176 = arith.addf %slice3A_174, %slice3A_175 : vector<1x256xf32>
    %slice3A_177 = vector.extract_strided_slice %add3A_176 {offsets = [0, 0], sizes = [1, 128], strides = [1, 1]} : vector<1x256xf32> to vector<1x128xf32>
    %slice3A_178 = vector.extract_strided_slice %add3A_176 {offsets = [0, 128], sizes = [1, 128], strides = [1, 1]} : vector<1x256xf32> to vector<1x128xf32>
    %add3A_179 = arith.addf %slice3A_177, %slice3A_178 : vector<1x128xf32>
    %slice3A_180 = vector.extract_strided_slice %add3A_179 {offsets = [0, 0], sizes = [1, 64], strides = [1, 1]} : vector<1x128xf32> to vector<1x64xf32>
    %slice3A_181 = vector.extract_strided_slice %add3A_179 {offsets = [0, 64], sizes = [1, 64], strides = [1, 1]} : vector<1x128xf32> to vector<1x64xf32>
    %add3A_182 = arith.addf %slice3A_180, %slice3A_181 : vector<1x64xf32>
    %slice3A_183 = vector.extract_strided_slice %add3A_169 {offsets = [0, 1], sizes = [1, 63], strides = [1, 1]} : vector<1x64xf32> to vector<1x63xf32>
    %slice3A_184 = vector.extract_strided_slice %add3A_169 {offsets = [0, 0], sizes = [1, 1], strides = [1, 1]} : vector<1x64xf32> to vector<1x1xf32>
    %concatenate3A_185 = tpu.concatenate %slice3A_183, %slice3A_184 in 1 : vector<1x63xf32>, vector<1x1xf32> -> vector<1x64xf32>
    %slice3A_186 = vector.extract_strided_slice %add3A_169 {offsets = [0, 63], sizes = [1, 1], strides = [1, 1]} : vector<1x64xf32> to vector<1x1xf32>
    %slice3A_187 = vector.extract_strided_slice %add3A_169 {offsets = [0, 0], sizes = [1, 63], strides = [1, 1]} : vector<1x64xf32> to vector<1x63xf32>
    %concatenate3A_188 = tpu.concatenate %slice3A_186, %slice3A_187 in 1 : vector<1x1xf32>, vector<1x63xf32> -> vector<1x64xf32>
    %iota3A_189 = tpu.iota {dimensions = array<i32: 1>} : vector<1x64xi32>
    %jit3A_190 = arith.constant 2 : i32
    %eq3A_191 = arith.constant 0 : i32
    %eq3A_192 = arith.cmpi eq, %jit3A_190, %eq3A_191 : i32
    %jit3A_193 = arith.constant 1 : i32
    %select_n3A_194 = arith.select %eq3A_192, %jit3A_193, %jit3A_190 : i32
    %rem3A_195 = vector.broadcast %select_n3A_194 : i32 to vector<1x64xi32>
    %rem3A_196 = arith.remsi %iota3A_189, %rem3A_195 : vector<1x64xi32>
    %ne3A_197 = arith.constant 0 : i32
    %ne3A_198 = vector.broadcast %ne3A_197 : i32 to vector<1x64xi32>
    %ne3A_199 = arith.cmpi ne, %rem3A_196, %ne3A_198 : vector<1x64xi32>
    %lt3A_200 = arith.constant 0 : i32
    %lt3A_201 = vector.broadcast %lt3A_200 : i32 to vector<1x64xi32>
    %lt3A_202 = arith.cmpi slt, %rem3A_196, %lt3A_201 : vector<1x64xi32>
    %lt3A_203 = arith.constant 0 : i32
    %lt3A_204 = arith.cmpi slt, %select_n3A_194, %lt3A_203 : i32
    %ne3A_205 = vector.broadcast %lt3A_204 : i1 to vector<1x64xi1>
    %ne3A_206 = vector.broadcast %ne3A_205 : vector<1x64xi1> to vector<1x64xi1>
    %ne3A_207 = arith.xori %lt3A_202, %ne3A_206 : vector<1x64xi1>
    %and3A_208 = arith.andi %ne3A_207, %ne3A_199 : vector<1x64xi1>
    %add3A_209 = vector.broadcast %select_n3A_194 : i32 to vector<1x64xi32>
    %add3A_210 = arith.addi %rem3A_196, %add3A_209 : vector<1x64xi32>
    %select_n3A_211 = arith.select %and3A_208, %add3A_210, %rem3A_196 : vector<1x64xi1>, vector<1x64xi32>
    %eq3A_212 = arith.constant 0 : i32
    %eq3A_213 = vector.broadcast %eq3A_212 : i32 to vector<1x64xi32>
    %eq3A_214 = arith.cmpi eq, %select_n3A_211, %eq3A_213 : vector<1x64xi32>
    %select_n3A_215 = arith.select %eq3A_214, %concatenate3A_185, %concatenate3A_188 : vector<1x64xi1>, vector<1x64xf32>
    %add3A_216 = arith.addf %add3A_169, %select_n3A_215 : vector<1x64xf32>
    %slice3A_217 = vector.extract_strided_slice %add3A_182 {offsets = [0, 1], sizes = [1, 63], strides = [1, 1]} : vector<1x64xf32> to vector<1x63xf32>
    %slice3A_218 = vector.extract_strided_slice %add3A_182 {offsets = [0, 0], sizes = [1, 1], strides = [1, 1]} : vector<1x64xf32> to vector<1x1xf32>
    %concatenate3A_219 = tpu.concatenate %slice3A_217, %slice3A_218 in 1 : vector<1x63xf32>, vector<1x1xf32> -> vector<1x64xf32>
    %slice3A_220 = vector.extract_strided_slice %add3A_182 {offsets = [0, 63], sizes = [1, 1], strides = [1, 1]} : vector<1x64xf32> to vector<1x1xf32>
    %slice3A_221 = vector.extract_strided_slice %add3A_182 {offsets = [0, 0], sizes = [1, 63], strides = [1, 1]} : vector<1x64xf32> to vector<1x63xf32>
    %concatenate3A_222 = tpu.concatenate %slice3A_220, %slice3A_221 in 1 : vector<1x1xf32>, vector<1x63xf32> -> vector<1x64xf32>
    %iota3A_223 = tpu.iota {dimensions = array<i32: 1>} : vector<1x64xi32>
    %jit3A_224 = arith.constant 2 : i32
    %eq3A_225 = arith.constant 0 : i32
    %eq3A_226 = arith.cmpi eq, %jit3A_224, %eq3A_225 : i32
    %jit3A_227 = arith.constant 1 : i32
    %select_n3A_228 = arith.select %eq3A_226, %jit3A_227, %jit3A_224 : i32
    %rem3A_229 = vector.broadcast %select_n3A_228 : i32 to vector<1x64xi32>
    %rem3A_230 = arith.remsi %iota3A_223, %rem3A_229 : vector<1x64xi32>
    %ne3A_231 = arith.constant 0 : i32
    %ne3A_232 = vector.broadcast %ne3A_231 : i32 to vector<1x64xi32>
    %ne3A_233 = arith.cmpi ne, %rem3A_230, %ne3A_232 : vector<1x64xi32>
    %lt3A_234 = arith.constant 0 : i32
    %lt3A_235 = vector.broadcast %lt3A_234 : i32 to vector<1x64xi32>
    %lt3A_236 = arith.cmpi slt, %rem3A_230, %lt3A_235 : vector<1x64xi32>
    %lt3A_237 = arith.constant 0 : i32
    %lt3A_238 = arith.cmpi slt, %select_n3A_228, %lt3A_237 : i32
    %ne3A_239 = vector.broadcast %lt3A_238 : i1 to vector<1x64xi1>
    %ne3A_240 = vector.broadcast %ne3A_239 : vector<1x64xi1> to vector<1x64xi1>
    %ne3A_241 = arith.xori %lt3A_236, %ne3A_240 : vector<1x64xi1>
    %and3A_242 = arith.andi %ne3A_241, %ne3A_233 : vector<1x64xi1>
    %add3A_243 = vector.broadcast %select_n3A_228 : i32 to vector<1x64xi32>
    %add3A_244 = arith.addi %rem3A_230, %add3A_243 : vector<1x64xi32>
    %select_n3A_245 = arith.select %and3A_242, %add3A_244, %rem3A_230 : vector<1x64xi1>, vector<1x64xi32>
    %eq3A_246 = arith.constant 0 : i32
    %eq3A_247 = vector.broadcast %eq3A_246 : i32 to vector<1x64xi32>
    %eq3A_248 = arith.cmpi eq, %select_n3A_245, %eq3A_247 : vector<1x64xi32>
    %select_n3A_249 = arith.select %eq3A_248, %concatenate3A_219, %concatenate3A_222 : vector<1x64xi1>, vector<1x64xf32>
    %add3A_250 = arith.addf %add3A_182, %select_n3A_249 : vector<1x64xf32>
    %div3A_251 = arith.constant 8.192000e+04 : f32
    %div3A_252 = vector.broadcast %div3A_251 : f32 to vector<1x64xf32>
    %div3A_253 = arith.divf %add3A_216, %div3A_252 : vector<1x64xf32>
    %div3A_254 = arith.constant 8.192000e+04 : f32
    %div3A_255 = vector.broadcast %div3A_254 : f32 to vector<1x64xf32>
    %div3A_256 = arith.divf %add3A_250, %div3A_255 : vector<1x64xf32>
    %mul3A_257 = arith.mulf %div3A_253, %div3A_253 : vector<1x64xf32>
    %sub3A_258 = arith.subf %div3A_256, %mul3A_257 : vector<1x64xf32>
    %add3A_259 = arith.constant 9.99999974E-6 : f32
    %add3A_260 = vector.broadcast %add3A_259 : f32 to vector<1x64xf32>
    %add3A_261 = arith.addf %sub3A_258, %add3A_260 : vector<1x64xf32>
    %rsqrt3A_262 = math.rsqrt %add3A_261 : vector<1x64xf32>
    %mul3A_263 = arith.mulf %get3A_152, %rsqrt3A_262 : vector<1x64xf32>
    %mul3A_264 = arith.mulf %div3A_253, %mul3A_263 : vector<1x64xf32>
    %sub3A_265 = arith.subf %get3A_157, %mul3A_264 : vector<1x64xf32>
    %concatenate3A_266 = tpu.concatenate %mul3A_263, %mul3A_263, %mul3A_263, %mul3A_263, %mul3A_263, %mul3A_263, %mul3A_263, %mul3A_263 in 1 : vector<1x64xf32>, vector<1x64xf32>, vector<1x64xf32>, vector<1x64xf32>, vector<1x64xf32>, vector<1x64xf32>, vector<1x64xf32>, vector<1x64xf32> -> vector<1x512xf32>
    %mul3A_267 = vector.broadcast %concatenate3A_266 : vector<1x512xf32> to vector<5120x512xf32>
    %mul3A_268 = arith.mulf %dot_general3A_147, %mul3A_267 : vector<5120x512xf32>
    %concatenate3A_269 = tpu.concatenate %sub3A_265, %sub3A_265, %sub3A_265, %sub3A_265, %sub3A_265, %sub3A_265, %sub3A_265, %sub3A_265 in 1 : vector<1x64xf32>, vector<1x64xf32>, vector<1x64xf32>, vector<1x64xf32>, vector<1x64xf32>, vector<1x64xf32>, vector<1x64xf32>, vector<1x64xf32> -> vector<1x512xf32>
    %add3A_270 = vector.broadcast %concatenate3A_269 : vector<1x512xf32> to vector<5120x512xf32>
    %add3A_271 = arith.addf %mul3A_268, %add3A_270 : vector<5120x512xf32>
    %ge3A_272 = arith.constant 0.000000e+00 : f32
    %ge3A_273 = vector.broadcast %ge3A_272 : f32 to vector<5120x512xf32>
    %ge3A_274 = arith.cmpf oge, %add3A_271, %ge3A_273 : vector<5120x512xf32>
    %mul3A_275 = arith.constant 2.000000e-01 : f32
    %mul3A_276 = vector.broadcast %mul3A_275 : f32 to vector<5120x512xf32>
    %mul3A_277 = arith.mulf %mul3A_276, %add3A_271 : vector<5120x512xf32>
    %select_n3A_278 = arith.select %ge3A_274, %add3A_271, %mul3A_277 : vector<5120x512xi1>, vector<5120x512xf32>
    %reshape3A_279 = vector.shape_cast %select_n3A_278 : vector<5120x512xf32> to vector<20x256x512xf32>
    %reduce_max3A = arith.constant dense<0xFF800000> : vector<256x512xf32>
    %reduce_max3A_280 = vector.multi_reduction <maximumf>, %reshape3A_279, %reduce_max3A [0] : vector<20x256x512xf32> to vector<256x512xf32>
    %reduce_sum3A_281 = arith.constant dense<0.000000e+00> : vector<256x512xf32>
    %reduce_sum3A_282 = vector.multi_reduction <add>, %reshape3A_279, %reduce_sum3A_281 [0] : vector<20x256x512xf32> to vector<256x512xf32>
    %div3A_283 = arith.constant 2.000000e+01 : f32
    %div3A_284 = vector.broadcast %div3A_283 : f32 to vector<256x512xf32>
    %div3A_285 = arith.divf %reduce_sum3A_282, %div3A_284 : vector<256x512xf32>
    %concatenate3A_286 = tpu.concatenate %reduce_max3A_280, %div3A_285 in 1 : vector<256x512xf32>, vector<256x512xf32> -> vector<256x1024xf32>
    %get3A_287 = arith.constant 0 : index
    %get3A_288 = arith.constant 0 : index
    %get3A_289 = arith.constant 0 : index
    %get3A_290 = vector.load %arg7[%get3A_287, %get3A_288, %get3A_289] : memref<1x1024x512xf32, #tpu.memory_space<vmem>>, vector<1x1024x512xf32>
    %get3A_291 = vector.shape_cast %get3A_290 : vector<1x1024x512xf32> to vector<1024x512xf32>
    %dot_general3A_292 = arith.constant dense<0.000000e+00> : vector<256x512xf32>
    %dot_general3A_293 = tpu.matmul %concatenate3A_286, %get3A_291, %dot_general3A_292 {dimension_numbers = #tpu.dot_dimension_numbers<[1], [0], [0], [1], [0, 0, 1, 1], [], []>, transpose_lhs_hint = false} : vector<256x1024xf32>, vector<1024x512xf32>, vector<256x512xf32> -> vector<256x512xf32>
    %get3A_294 = arith.constant 0 : index
    %get3A_295 = arith.constant 4 : index
    %get3A_296 = arith.constant 0 : index
    %get3A_297 = vector.load %arg8[%get3A_294, %get3A_295, %get3A_296] : memref<1x6x64xf32, #tpu.memory_space<vmem>>, vector<1x1x64xf32>
    %get3A_298 = vector.shape_cast %get3A_297 : vector<1x1x64xf32> to vector<1x64xf32>
    %get3A_299 = arith.constant 0 : index
    %get3A_300 = arith.constant 5 : index
    %get3A_301 = arith.constant 0 : index
    %get3A_302 = vector.load %arg8[%get3A_299, %get3A_300, %get3A_301] : memref<1x6x64xf32, #tpu.memory_space<vmem>>, vector<1x1x64xf32>
    %get3A_303 = vector.shape_cast %get3A_302 : vector<1x1x64xf32> to vector<1x64xf32>
    %reduce_sum3A_304 = arith.constant dense<0.000000e+00> : vector<512xf32>
    %reduce_sum3A_305 = vector.multi_reduction <add>, %dot_general3A_293, %reduce_sum3A_304 [0] : vector<256x512xf32> to vector<512xf32>
    %broadcast_in_dim3A_306 = vector.shape_cast %reduce_sum3A_305 : vector<512xf32> to vector<1x512xf32>
    %slice3A_307 = vector.extract_strided_slice %broadcast_in_dim3A_306 {offsets = [0, 0], sizes = [1, 256], strides = [1, 1]} : vector<1x512xf32> to vector<1x256xf32>
    %slice3A_308 = vector.extract_strided_slice %broadcast_in_dim3A_306 {offsets = [0, 256], sizes = [1, 256], strides = [1, 1]} : vector<1x512xf32> to vector<1x256xf32>
    %add3A_309 = arith.addf %slice3A_307, %slice3A_308 : vector<1x256xf32>
    %slice3A_310 = vector.extract_strided_slice %add3A_309 {offsets = [0, 0], sizes = [1, 128], strides = [1, 1]} : vector<1x256xf32> to vector<1x128xf32>
    %slice3A_311 = vector.extract_strided_slice %add3A_309 {offsets = [0, 128], sizes = [1, 128], strides = [1, 1]} : vector<1x256xf32> to vector<1x128xf32>
    %add3A_312 = arith.addf %slice3A_310, %slice3A_311 : vector<1x128xf32>
    %slice3A_313 = vector.extract_strided_slice %add3A_312 {offsets = [0, 0], sizes = [1, 64], strides = [1, 1]} : vector<1x128xf32> to vector<1x64xf32>
    %slice3A_314 = vector.extract_strided_slice %add3A_312 {offsets = [0, 64], sizes = [1, 64], strides = [1, 1]} : vector<1x128xf32> to vector<1x64xf32>
    %add3A_315 = arith.addf %slice3A_313, %slice3A_314 : vector<1x64xf32>
    %mul3A_316 = arith.mulf %dot_general3A_293, %dot_general3A_293 : vector<256x512xf32>
    %reduce_sum3A_317 = arith.constant dense<0.000000e+00> : vector<512xf32>
    %reduce_sum3A_318 = vector.multi_reduction <add>, %mul3A_316, %reduce_sum3A_317 [0] : vector<256x512xf32> to vector<512xf32>
    %broadcast_in_dim3A_319 = vector.shape_cast %reduce_sum3A_318 : vector<512xf32> to vector<1x512xf32>
    %slice3A_320 = vector.extract_strided_slice %broadcast_in_dim3A_319 {offsets = [0, 0], sizes = [1, 256], strides = [1, 1]} : vector<1x512xf32> to vector<1x256xf32>
    %slice3A_321 = vector.extract_strided_slice %broadcast_in_dim3A_319 {offsets = [0, 256], sizes = [1, 256], strides = [1, 1]} : vector<1x512xf32> to vector<1x256xf32>
    %add3A_322 = arith.addf %slice3A_320, %slice3A_321 : vector<1x256xf32>
    %slice3A_323 = vector.extract_strided_slice %add3A_322 {offsets = [0, 0], sizes = [1, 128], strides = [1, 1]} : vector<1x256xf32> to vector<1x128xf32>
    %slice3A_324 = vector.extract_strided_slice %add3A_322 {offsets = [0, 128], sizes = [1, 128], strides = [1, 1]} : vector<1x256xf32> to vector<1x128xf32>
    %add3A_325 = arith.addf %slice3A_323, %slice3A_324 : vector<1x128xf32>
    %slice3A_326 = vector.extract_strided_slice %add3A_325 {offsets = [0, 0], sizes = [1, 64], strides = [1, 1]} : vector<1x128xf32> to vector<1x64xf32>
    %slice3A_327 = vector.extract_strided_slice %add3A_325 {offsets = [0, 64], sizes = [1, 64], strides = [1, 1]} : vector<1x128xf32> to vector<1x64xf32>
    %add3A_328 = arith.addf %slice3A_326, %slice3A_327 : vector<1x64xf32>
    %slice3A_329 = vector.extract_strided_slice %add3A_315 {offsets = [0, 1], sizes = [1, 63], strides = [1, 1]} : vector<1x64xf32> to vector<1x63xf32>
    %slice3A_330 = vector.extract_strided_slice %add3A_315 {offsets = [0, 0], sizes = [1, 1], strides = [1, 1]} : vector<1x64xf32> to vector<1x1xf32>
    %concatenate3A_331 = tpu.concatenate %slice3A_329, %slice3A_330 in 1 : vector<1x63xf32>, vector<1x1xf32> -> vector<1x64xf32>
    %slice3A_332 = vector.extract_strided_slice %add3A_315 {offsets = [0, 63], sizes = [1, 1], strides = [1, 1]} : vector<1x64xf32> to vector<1x1xf32>
    %slice3A_333 = vector.extract_strided_slice %add3A_315 {offsets = [0, 0], sizes = [1, 63], strides = [1, 1]} : vector<1x64xf32> to vector<1x63xf32>
    %concatenate3A_334 = tpu.concatenate %slice3A_332, %slice3A_333 in 1 : vector<1x1xf32>, vector<1x63xf32> -> vector<1x64xf32>
    %iota3A_335 = tpu.iota {dimensions = array<i32: 1>} : vector<1x64xi32>
    %jit3A_336 = arith.constant 2 : i32
    %eq3A_337 = arith.constant 0 : i32
    %eq3A_338 = arith.cmpi eq, %jit3A_336, %eq3A_337 : i32
    %jit3A_339 = arith.constant 1 : i32
    %select_n3A_340 = arith.select %eq3A_338, %jit3A_339, %jit3A_336 : i32
    %rem3A_341 = vector.broadcast %select_n3A_340 : i32 to vector<1x64xi32>
    %rem3A_342 = arith.remsi %iota3A_335, %rem3A_341 : vector<1x64xi32>
    %ne3A_343 = arith.constant 0 : i32
    %ne3A_344 = vector.broadcast %ne3A_343 : i32 to vector<1x64xi32>
    %ne3A_345 = arith.cmpi ne, %rem3A_342, %ne3A_344 : vector<1x64xi32>
    %lt3A_346 = arith.constant 0 : i32
    %lt3A_347 = vector.broadcast %lt3A_346 : i32 to vector<1x64xi32>
    %lt3A_348 = arith.cmpi slt, %rem3A_342, %lt3A_347 : vector<1x64xi32>
    %lt3A_349 = arith.constant 0 : i32
    %lt3A_350 = arith.cmpi slt, %select_n3A_340, %lt3A_349 : i32
    %ne3A_351 = vector.broadcast %lt3A_350 : i1 to vector<1x64xi1>
    %ne3A_352 = vector.broadcast %ne3A_351 : vector<1x64xi1> to vector<1x64xi1>
    %ne3A_353 = arith.xori %lt3A_348, %ne3A_352 : vector<1x64xi1>
    %and3A_354 = arith.andi %ne3A_353, %ne3A_345 : vector<1x64xi1>
    %add3A_355 = vector.broadcast %select_n3A_340 : i32 to vector<1x64xi32>
    %add3A_356 = arith.addi %rem3A_342, %add3A_355 : vector<1x64xi32>
    %select_n3A_357 = arith.select %and3A_354, %add3A_356, %rem3A_342 : vector<1x64xi1>, vector<1x64xi32>
    %eq3A_358 = arith.constant 0 : i32
    %eq3A_359 = vector.broadcast %eq3A_358 : i32 to vector<1x64xi32>
    %eq3A_360 = arith.cmpi eq, %select_n3A_357, %eq3A_359 : vector<1x64xi32>
    %select_n3A_361 = arith.select %eq3A_360, %concatenate3A_331, %concatenate3A_334 : vector<1x64xi1>, vector<1x64xf32>
    %add3A_362 = arith.addf %add3A_315, %select_n3A_361 : vector<1x64xf32>
    %slice3A_363 = vector.extract_strided_slice %add3A_328 {offsets = [0, 1], sizes = [1, 63], strides = [1, 1]} : vector<1x64xf32> to vector<1x63xf32>
    %slice3A_364 = vector.extract_strided_slice %add3A_328 {offsets = [0, 0], sizes = [1, 1], strides = [1, 1]} : vector<1x64xf32> to vector<1x1xf32>
    %concatenate3A_365 = tpu.concatenate %slice3A_363, %slice3A_364 in 1 : vector<1x63xf32>, vector<1x1xf32> -> vector<1x64xf32>
    %slice3A_366 = vector.extract_strided_slice %add3A_328 {offsets = [0, 63], sizes = [1, 1], strides = [1, 1]} : vector<1x64xf32> to vector<1x1xf32>
    %slice3A_367 = vector.extract_strided_slice %add3A_328 {offsets = [0, 0], sizes = [1, 63], strides = [1, 1]} : vector<1x64xf32> to vector<1x63xf32>
    %concatenate3A_368 = tpu.concatenate %slice3A_366, %slice3A_367 in 1 : vector<1x1xf32>, vector<1x63xf32> -> vector<1x64xf32>
    %iota3A_369 = tpu.iota {dimensions = array<i32: 1>} : vector<1x64xi32>
    %jit3A_370 = arith.constant 2 : i32
    %eq3A_371 = arith.constant 0 : i32
    %eq3A_372 = arith.cmpi eq, %jit3A_370, %eq3A_371 : i32
    %jit3A_373 = arith.constant 1 : i32
    %select_n3A_374 = arith.select %eq3A_372, %jit3A_373, %jit3A_370 : i32
    %rem3A_375 = vector.broadcast %select_n3A_374 : i32 to vector<1x64xi32>
    %rem3A_376 = arith.remsi %iota3A_369, %rem3A_375 : vector<1x64xi32>
    %ne3A_377 = arith.constant 0 : i32
    %ne3A_378 = vector.broadcast %ne3A_377 : i32 to vector<1x64xi32>
    %ne3A_379 = arith.cmpi ne, %rem3A_376, %ne3A_378 : vector<1x64xi32>
    %lt3A_380 = arith.constant 0 : i32
    %lt3A_381 = vector.broadcast %lt3A_380 : i32 to vector<1x64xi32>
    %lt3A_382 = arith.cmpi slt, %rem3A_376, %lt3A_381 : vector<1x64xi32>
    %lt3A_383 = arith.constant 0 : i32
    %lt3A_384 = arith.cmpi slt, %select_n3A_374, %lt3A_383 : i32
    %ne3A_385 = vector.broadcast %lt3A_384 : i1 to vector<1x64xi1>
    %ne3A_386 = vector.broadcast %ne3A_385 : vector<1x64xi1> to vector<1x64xi1>
    %ne3A_387 = arith.xori %lt3A_382, %ne3A_386 : vector<1x64xi1>
    %and3A_388 = arith.andi %ne3A_387, %ne3A_379 : vector<1x64xi1>
    %add3A_389 = vector.broadcast %select_n3A_374 : i32 to vector<1x64xi32>
    %add3A_390 = arith.addi %rem3A_376, %add3A_389 : vector<1x64xi32>
    %select_n3A_391 = arith.select %and3A_388, %add3A_390, %rem3A_376 : vector<1x64xi1>, vector<1x64xi32>
    %eq3A_392 = arith.constant 0 : i32
    %eq3A_393 = vector.broadcast %eq3A_392 : i32 to vector<1x64xi32>
    %eq3A_394 = arith.cmpi eq, %select_n3A_391, %eq3A_393 : vector<1x64xi32>
    %select_n3A_395 = arith.select %eq3A_394, %concatenate3A_365, %concatenate3A_368 : vector<1x64xi1>, vector<1x64xf32>
    %add3A_396 = arith.addf %add3A_328, %select_n3A_395 : vector<1x64xf32>
    %div3A_397 = arith.constant 4.096000e+03 : f32
    %div3A_398 = vector.broadcast %div3A_397 : f32 to vector<1x64xf32>
    %div3A_399 = arith.divf %add3A_362, %div3A_398 : vector<1x64xf32>
    %div3A_400 = arith.constant 4.096000e+03 : f32
    %div3A_401 = vector.broadcast %div3A_400 : f32 to vector<1x64xf32>
    %div3A_402 = arith.divf %add3A_396, %div3A_401 : vector<1x64xf32>
    %mul3A_403 = arith.mulf %div3A_399, %div3A_399 : vector<1x64xf32>
    %sub3A_404 = arith.subf %div3A_402, %mul3A_403 : vector<1x64xf32>
    %add3A_405 = arith.constant 9.99999974E-6 : f32
    %add3A_406 = vector.broadcast %add3A_405 : f32 to vector<1x64xf32>
    %add3A_407 = arith.addf %sub3A_404, %add3A_406 : vector<1x64xf32>
    %rsqrt3A_408 = math.rsqrt %add3A_407 : vector<1x64xf32>
    %mul3A_409 = arith.mulf %get3A_298, %rsqrt3A_408 : vector<1x64xf32>
    %mul3A_410 = arith.mulf %div3A_399, %mul3A_409 : vector<1x64xf32>
    %sub3A_411 = arith.subf %get3A_303, %mul3A_410 : vector<1x64xf32>
    %concatenate3A_412 = tpu.concatenate %mul3A_409, %mul3A_409, %mul3A_409, %mul3A_409, %mul3A_409, %mul3A_409, %mul3A_409, %mul3A_409 in 1 : vector<1x64xf32>, vector<1x64xf32>, vector<1x64xf32>, vector<1x64xf32>, vector<1x64xf32>, vector<1x64xf32>, vector<1x64xf32>, vector<1x64xf32> -> vector<1x512xf32>
    %mul3A_413 = vector.broadcast %concatenate3A_412 : vector<1x512xf32> to vector<256x512xf32>
    %mul3A_414 = arith.mulf %dot_general3A_293, %mul3A_413 : vector<256x512xf32>
    %concatenate3A_415 = tpu.concatenate %sub3A_411, %sub3A_411, %sub3A_411, %sub3A_411, %sub3A_411, %sub3A_411, %sub3A_411, %sub3A_411 in 1 : vector<1x64xf32>, vector<1x64xf32>, vector<1x64xf32>, vector<1x64xf32>, vector<1x64xf32>, vector<1x64xf32>, vector<1x64xf32>, vector<1x64xf32> -> vector<1x512xf32>
    %add3A_416 = vector.broadcast %concatenate3A_415 : vector<1x512xf32> to vector<256x512xf32>
    %add3A_417 = arith.addf %mul3A_414, %add3A_416 : vector<256x512xf32>
    %ge3A_418 = arith.constant 0.000000e+00 : f32
    %ge3A_419 = vector.broadcast %ge3A_418 : f32 to vector<256x512xf32>
    %ge3A_420 = arith.cmpf oge, %add3A_417, %ge3A_419 : vector<256x512xf32>
    %mul3A_421 = arith.constant 2.000000e-01 : f32
    %mul3A_422 = vector.broadcast %mul3A_421 : f32 to vector<256x512xf32>
    %mul3A_423 = arith.mulf %mul3A_422, %add3A_417 : vector<256x512xf32>
    %select_n3A_424 = arith.select %ge3A_420, %add3A_417, %mul3A_423 : vector<256x512xi1>, vector<256x512xf32>
    %reduce_sum3A_425 = arith.constant dense<0.000000e+00> : vector<512xf32>
    %reduce_sum3A_426 = vector.multi_reduction <add>, %select_n3A_424, %reduce_sum3A_425 [0] : vector<256x512xf32> to vector<512xf32>
    %broadcast_in_dim3A_427 = vector.shape_cast %reduce_sum3A_426 : vector<512xf32> to vector<1x512xf32>
    %slice3A_428 = vector.extract_strided_slice %broadcast_in_dim3A_427 {offsets = [0, 0], sizes = [1, 256], strides = [1, 1]} : vector<1x512xf32> to vector<1x256xf32>
    %slice3A_429 = vector.extract_strided_slice %broadcast_in_dim3A_427 {offsets = [0, 256], sizes = [1, 256], strides = [1, 1]} : vector<1x512xf32> to vector<1x256xf32>
    %add3A_430 = arith.addf %slice3A_428, %slice3A_429 : vector<1x256xf32>
    %slice3A_431 = vector.extract_strided_slice %add3A_430 {offsets = [0, 0], sizes = [1, 128], strides = [1, 1]} : vector<1x256xf32> to vector<1x128xf32>
    %slice3A_432 = vector.extract_strided_slice %add3A_430 {offsets = [0, 128], sizes = [1, 128], strides = [1, 1]} : vector<1x256xf32> to vector<1x128xf32>
    %add3A_433 = arith.addf %slice3A_431, %slice3A_432 : vector<1x128xf32>
    %slice3A_434 = vector.extract_strided_slice %add3A_433 {offsets = [0, 0], sizes = [1, 64], strides = [1, 1]} : vector<1x128xf32> to vector<1x64xf32>
    %slice3A_435 = vector.extract_strided_slice %add3A_433 {offsets = [0, 64], sizes = [1, 64], strides = [1, 1]} : vector<1x128xf32> to vector<1x64xf32>
    %add3A_436 = arith.addf %slice3A_434, %slice3A_435 : vector<1x64xf32>
    %div3A_437 = arith.constant 2.048000e+03 : f32
    %div3A_438 = vector.broadcast %div3A_437 : f32 to vector<1x64xf32>
    %div3A_439 = arith.divf %add3A_436, %div3A_438 : vector<1x64xf32>
    %get3A_440 = arith.constant 0 : index
    %get3A_441 = arith.constant 0 : index
    %get3A_442 = arith.constant 0 : index
    %get3A_443 = vector.load %arg9[%get3A_440, %get3A_441, %get3A_442] : memref<1x4x64xf32, #tpu.memory_space<vmem>>, vector<1x4x64xf32>
    %get3A_444 = vector.shape_cast %get3A_443 : vector<1x4x64xf32> to vector<4x64xf32>
    %dot_general3A_445 = arith.constant dense<0.000000e+00> : vector<1x4xf32>
    %dot_general3A_446 = tpu.matmul %div3A_439, %get3A_444, %dot_general3A_445 {dimension_numbers = #tpu.dot_dimension_numbers<[1], [1], [0], [0], [0, 0, 1, 0], [], []>, transpose_lhs_hint = false} : vector<1x64xf32>, vector<4x64xf32>, vector<1x4xf32> -> vector<1x4xf32>
    %max3A = arith.constant 0.000000e+00 : f32
    %max3A_447 = vector.broadcast %max3A : f32 to vector<1x4xf32>
    %max3A_448 = arith.maximumf %dot_general3A_446, %max3A_447 : vector<1x4xf32>
    %get3A_449 = arith.constant 0 : index
    %get3A_450 = arith.constant 0 : index
    %get3A_451 = arith.constant 0 : index
    %get3A_452 = vector.load %arg10[%get3A_449, %get3A_450, %get3A_451] : memref<1x64x4xf32, #tpu.memory_space<vmem>>, vector<1x64x4xf32>
    %get3A_453 = vector.shape_cast %get3A_452 : vector<1x64x4xf32> to vector<64x4xf32>
    %dot_general3A_454 = arith.constant dense<0.000000e+00> : vector<1x64xf32>
    %dot_general3A_455 = tpu.matmul %max3A_448, %get3A_453, %dot_general3A_454 {dimension_numbers = #tpu.dot_dimension_numbers<[1], [1], [0], [0], [0, 0, 1, 0], [], []>, transpose_lhs_hint = false} : vector<1x4xf32>, vector<64x4xf32>, vector<1x64xf32> -> vector<1x64xf32>
    %logistic3A = arith.negf %dot_general3A_455 : vector<1x64xf32>
    %logistic3A_456 = math.exp %logistic3A : vector<1x64xf32>
    %logistic3A_457 = arith.constant 1.000000e+00 : f32
    %logistic3A_458 = vector.broadcast %logistic3A_457 : f32 to vector<1x64xf32>
    %logistic3A_459 = arith.addf %logistic3A_458, %logistic3A_456 : vector<1x64xf32>
    %logistic3A_460 = arith.divf %logistic3A_458, %logistic3A_459 : vector<1x64xf32>
    %concatenate3A_461 = tpu.concatenate %logistic3A_460, %logistic3A_460, %logistic3A_460, %logistic3A_460, %logistic3A_460, %logistic3A_460, %logistic3A_460, %logistic3A_460 in 1 : vector<1x64xf32>, vector<1x64xf32>, vector<1x64xf32>, vector<1x64xf32>, vector<1x64xf32>, vector<1x64xf32>, vector<1x64xf32>, vector<1x64xf32> -> vector<1x512xf32>
    %mul3A_462 = vector.broadcast %concatenate3A_461 : vector<1x512xf32> to vector<256x512xf32>
    %mul3A_463 = arith.mulf %select_n3A_424, %mul3A_462 : vector<256x512xf32>
    %swap3A = arith.constant 0 : index
    %swap3A_464 = arith.constant 0 : index
    %swap3A_465 = arith.constant 0 : index
    %swap3A_466 = arith.constant 0 : index
    %swap3A_467 = vector.load %arg11[%swap3A, %swap3A_464, %swap3A_465, %swap3A_466] : memref<1x1x256x512xf32, #tpu.memory_space<vmem>>, vector<1x1x256x512xf32>
    %swap3A_468 = vector.shape_cast %swap3A_467 : vector<1x1x256x512xf32> to vector<256x512xf32>
    %swap3A_469 = vector.shape_cast %mul3A_463 : vector<256x512xf32> to vector<1x1x256x512xf32>
    tpu.vector_store %arg11[%swap3A, %swap3A_464, %swap3A_465, %swap3A_466], %swap3A_469 {strides = array<i32>} : memref<1x1x256x512xf32, #tpu.memory_space<vmem>>, vector<1x1x256x512xf32>,
    return
  }
  func.func @transform_0(%arg0: i32, %arg1: i32) -> (i32, i32, i32, i32) {
    %c0_i32 = arith.constant 0 : i32
    %c0_i32_0 = arith.constant 0 : i32
    %c0_i32_1 = arith.constant 0 : i32
    return %arg0, %arg1, %c0_i32, %c0_i32_0 : i32, i32, i32, i32
  }
  func.func @transform_1(%arg0: i32, %arg1: i32) -> (i32, i32, i32) {
    %c0_i32 = arith.constant 0 : i32
    %c0_i32_0 = arith.constant 0 : i32
    %c0_i32_1 = arith.constant 0 : i32
    return %arg1, %c0_i32, %c0_i32_0 : i32, i32, i32
  }
  func.func @transform_2(%arg0: i32, %arg1: i32) -> (i32, i32, i32) {
    %c0_i32 = arith.constant 0 : i32
    %c0_i32_0 = arith.constant 0 : i32
    %c0_i32_1 = arith.constant 0 : i32
    return %arg1, %c0_i32, %c0_i32_0 : i32, i32, i32
  }
  func.func @transform_3(%arg0: i32, %arg1: i32) -> (i32, i32, i32) {
    %c0_i32 = arith.constant 0 : i32
    %c0_i32_0 = arith.constant 0 : i32
    %c0_i32_1 = arith.constant 0 : i32
    return %arg0, %c0_i32, %c0_i32_0 : i32, i32, i32
  }
  func.func @transform_4(%arg0: i32, %arg1: i32) -> (i32, i32, i32) {
    %c0_i32 = arith.constant 0 : i32
    %c0_i32_0 = arith.constant 0 : i32
    %c0_i32_1 = arith.constant 0 : i32
    return %arg0, %c0_i32, %c0_i32_0 : i32, i32, i32
  }
  func.func @transform_5(%arg0: i32, %arg1: i32) -> (i32, i32, i32) {
    %c0_i32 = arith.constant 0 : i32
    %c0_i32_0 = arith.constant 0 : i32
    %c0_i32_1 = arith.constant 0 : i32
    return %arg0, %c0_i32, %c0_i32_0 : i32, i32, i32
  }
  func.func @transform_6(%arg0: i32, %arg1: i32) -> (i32, i32, i32) {
    %c0_i32 = arith.constant 0 : i32
    %c0_i32_0 = arith.constant 0 : i32
    %c0_i32_1 = arith.constant 0 : i32
    return %arg0, %c0_i32, %c0_i32_0 : i32, i32, i32
  }
  func.func @transform_7(%arg0: i32, %arg1: i32) -> (i32, i32, i32) {
    %c0_i32 = arith.constant 0 : i32
    %c0_i32_0 = arith.constant 0 : i32
    %c0_i32_1 = arith.constant 0 : i32
    return %arg0, %c0_i32, %c0_i32_0 : i32, i32, i32
  }
  func.func @transform_8(%arg0: i32, %arg1: i32) -> (i32, i32, i32) {
    %c0_i32 = arith.constant 0 : i32
    %c0_i32_0 = arith.constant 0 : i32
    %c0_i32_1 = arith.constant 0 : i32
    return %arg0, %c0_i32, %c0_i32_0 : i32, i32, i32
  }
  func.func @transform_9(%arg0: i32, %arg1: i32) -> (i32, i32, i32, i32) {
    %c0_i32 = arith.constant 0 : i32
    %c0_i32_0 = arith.constant 0 : i32
    %c0_i32_1 = arith.constant 0 : i32
    return %arg0, %arg1, %c0_i32, %c0_i32_0 : i32, i32, i32, i32
  }
}

module attributes {stable_mosaic.version = 14 : i64} {
  func.func @_final_body(%arg0: i32, %arg1: memref<1x1x256x512xf32, #tpu.memory_space<vmem>>, %arg2: memref<1x1x256x512xf32, #tpu.memory_space<vmem>>, %arg3: memref<1024x512xf32, #tpu.memory_space<vmem>>, %arg4: memref<1x64xf32, #tpu.memory_space<vmem>>, %arg5: memref<1x64xf32, #tpu.memory_space<vmem>>, %arg6: memref<1x256x512xf32, #tpu.memory_space<vmem>>) attributes {dimension_semantics = [#tpu.dimension_semantics<arbitrary>], iteration_bounds = array<i64: 8>, scalar_prefetch = 0 : i64, scratch_operands = 0 : i64, tpu.core_type = #tpu.core_type<tc>, window_params = [{transform_indices = @transform_0, window_bounds = array<i64: 1, 1, 256, 512>}, {transform_indices = @transform_1, window_bounds = array<i64: 1, 1, 256, 512>}, {pipeline_mode = #tpu.pipeline_mode<synchronous>, transform_indices = @transform_2, window_bounds = array<i64: 1024, 512>}, {pipeline_mode = #tpu.pipeline_mode<synchronous>, transform_indices = @transform_3, window_bounds = array<i64: 1, 64>}, {pipeline_mode = #tpu.pipeline_mode<synchronous>, transform_indices = @transform_4, window_bounds = array<i64: 1, 64>}, {transform_indices = @transform_5, window_bounds = array<i64: 1, 256, 512>}]} {
    %get3A = arith.constant 0 : index
    %get3A_0 = arith.constant 0 : index
    %get3A_1 = arith.constant 0 : index
    %get3A_2 = arith.constant 0 : index
    %get3A_3 = vector.load %arg1[%get3A, %get3A_0, %get3A_1, %get3A_2] : memref<1x1x256x512xf32, #tpu.memory_space<vmem>>, vector<1x1x256x512xf32>
    %get3A_4 = vector.shape_cast %get3A_3 : vector<1x1x256x512xf32> to vector<256x512xf32>
    %get3A_5 = arith.constant 0 : index
    %get3A_6 = arith.constant 0 : index
    %get3A_7 = arith.constant 0 : index
    %get3A_8 = arith.constant 0 : index
    %get3A_9 = vector.load %arg2[%get3A_5, %get3A_6, %get3A_7, %get3A_8] : memref<1x1x256x512xf32, #tpu.memory_space<vmem>>, vector<1x1x256x512xf32>
    %get3A_10 = vector.shape_cast %get3A_9 : vector<1x1x256x512xf32> to vector<256x512xf32>
    %concatenate3A = tpu.concatenate %get3A_4, %get3A_10 in 1 : vector<256x512xf32>, vector<256x512xf32> -> vector<256x1024xf32>
    %get3A_11 = arith.constant 0 : index
    %get3A_12 = arith.constant 0 : index
    %get3A_13 = vector.load %arg3[%get3A_11, %get3A_12] : memref<1024x512xf32, #tpu.memory_space<vmem>>, vector<1024x512xf32>
    %dot_general3A = arith.constant dense<0.000000e+00> : vector<256x512xf32>
    %dot_general3A_14 = tpu.matmul %concatenate3A, %get3A_13, %dot_general3A {dimension_numbers = #tpu.dot_dimension_numbers<[1], [0], [0], [1], [0, 0, 1, 1], [], []>, transpose_lhs_hint = false} : vector<256x1024xf32>, vector<1024x512xf32>, vector<256x512xf32> -> vector<256x512xf32>
    %get3A_15 = arith.constant 0 : index
    %get3A_16 = arith.constant 0 : index
    %get3A_17 = vector.load %arg4[%get3A_15, %get3A_16] : memref<1x64xf32, #tpu.memory_space<vmem>>, vector<1x64xf32>
    %get3A_18 = arith.constant 0 : index
    %get3A_19 = arith.constant 0 : index
    %get3A_20 = vector.load %arg5[%get3A_18, %get3A_19] : memref<1x64xf32, #tpu.memory_space<vmem>>, vector<1x64xf32>
    %reduce_sum3A = arith.constant dense<0.000000e+00> : vector<512xf32>
    %reduce_sum3A_21 = vector.multi_reduction <add>, %dot_general3A_14, %reduce_sum3A [0] : vector<256x512xf32> to vector<512xf32>
    %broadcast_in_dim3A = vector.shape_cast %reduce_sum3A_21 : vector<512xf32> to vector<1x512xf32>
    %slice3A = vector.extract_strided_slice %broadcast_in_dim3A {offsets = [0, 0], sizes = [1, 256], strides = [1, 1]} : vector<1x512xf32> to vector<1x256xf32>
    %slice3A_22 = vector.extract_strided_slice %broadcast_in_dim3A {offsets = [0, 256], sizes = [1, 256], strides = [1, 1]} : vector<1x512xf32> to vector<1x256xf32>
    %add3A = arith.addf %slice3A, %slice3A_22 : vector<1x256xf32>
    %slice3A_23 = vector.extract_strided_slice %add3A {offsets = [0, 0], sizes = [1, 128], strides = [1, 1]} : vector<1x256xf32> to vector<1x128xf32>
    %slice3A_24 = vector.extract_strided_slice %add3A {offsets = [0, 128], sizes = [1, 128], strides = [1, 1]} : vector<1x256xf32> to vector<1x128xf32>
    %add3A_25 = arith.addf %slice3A_23, %slice3A_24 : vector<1x128xf32>
    %slice3A_26 = vector.extract_strided_slice %add3A_25 {offsets = [0, 0], sizes = [1, 64], strides = [1, 1]} : vector<1x128xf32> to vector<1x64xf32>
    %slice3A_27 = vector.extract_strided_slice %add3A_25 {offsets = [0, 64], sizes = [1, 64], strides = [1, 1]} : vector<1x128xf32> to vector<1x64xf32>
    %add3A_28 = arith.addf %slice3A_26, %slice3A_27 : vector<1x64xf32>
    %mul3A = arith.mulf %dot_general3A_14, %dot_general3A_14 : vector<256x512xf32>
    %reduce_sum3A_29 = arith.constant dense<0.000000e+00> : vector<512xf32>
    %reduce_sum3A_30 = vector.multi_reduction <add>, %mul3A, %reduce_sum3A_29 [0] : vector<256x512xf32> to vector<512xf32>
    %broadcast_in_dim3A_31 = vector.shape_cast %reduce_sum3A_30 : vector<512xf32> to vector<1x512xf32>
    %slice3A_32 = vector.extract_strided_slice %broadcast_in_dim3A_31 {offsets = [0, 0], sizes = [1, 256], strides = [1, 1]} : vector<1x512xf32> to vector<1x256xf32>
    %slice3A_33 = vector.extract_strided_slice %broadcast_in_dim3A_31 {offsets = [0, 256], sizes = [1, 256], strides = [1, 1]} : vector<1x512xf32> to vector<1x256xf32>
    %add3A_34 = arith.addf %slice3A_32, %slice3A_33 : vector<1x256xf32>
    %slice3A_35 = vector.extract_strided_slice %add3A_34 {offsets = [0, 0], sizes = [1, 128], strides = [1, 1]} : vector<1x256xf32> to vector<1x128xf32>
    %slice3A_36 = vector.extract_strided_slice %add3A_34 {offsets = [0, 128], sizes = [1, 128], strides = [1, 1]} : vector<1x256xf32> to vector<1x128xf32>
    %add3A_37 = arith.addf %slice3A_35, %slice3A_36 : vector<1x128xf32>
    %slice3A_38 = vector.extract_strided_slice %add3A_37 {offsets = [0, 0], sizes = [1, 64], strides = [1, 1]} : vector<1x128xf32> to vector<1x64xf32>
    %slice3A_39 = vector.extract_strided_slice %add3A_37 {offsets = [0, 64], sizes = [1, 64], strides = [1, 1]} : vector<1x128xf32> to vector<1x64xf32>
    %add3A_40 = arith.addf %slice3A_38, %slice3A_39 : vector<1x64xf32>
    %slice3A_41 = vector.extract_strided_slice %add3A_28 {offsets = [0, 1], sizes = [1, 63], strides = [1, 1]} : vector<1x64xf32> to vector<1x63xf32>
    %slice3A_42 = vector.extract_strided_slice %add3A_28 {offsets = [0, 0], sizes = [1, 1], strides = [1, 1]} : vector<1x64xf32> to vector<1x1xf32>
    %concatenate3A_43 = tpu.concatenate %slice3A_41, %slice3A_42 in 1 : vector<1x63xf32>, vector<1x1xf32> -> vector<1x64xf32>
    %slice3A_44 = vector.extract_strided_slice %add3A_28 {offsets = [0, 63], sizes = [1, 1], strides = [1, 1]} : vector<1x64xf32> to vector<1x1xf32>
    %slice3A_45 = vector.extract_strided_slice %add3A_28 {offsets = [0, 0], sizes = [1, 63], strides = [1, 1]} : vector<1x64xf32> to vector<1x63xf32>
    %concatenate3A_46 = tpu.concatenate %slice3A_44, %slice3A_45 in 1 : vector<1x1xf32>, vector<1x63xf32> -> vector<1x64xf32>
    %iota3A = tpu.iota {dimensions = array<i32: 1>} : vector<1x64xi32>
    %jit3A = arith.constant 2 : i32
    %eq3A = arith.constant 0 : i32
    %eq3A_47 = arith.cmpi eq, %jit3A, %eq3A : i32
    %jit3A_48 = arith.constant 1 : i32
    %select_n3A = arith.select %eq3A_47, %jit3A_48, %jit3A : i32
    %rem3A = vector.broadcast %select_n3A : i32 to vector<1x64xi32>
    %rem3A_49 = arith.remsi %iota3A, %rem3A : vector<1x64xi32>
    %ne3A = arith.constant 0 : i32
    %ne3A_50 = vector.broadcast %ne3A : i32 to vector<1x64xi32>
    %ne3A_51 = arith.cmpi ne, %rem3A_49, %ne3A_50 : vector<1x64xi32>
    %lt3A = arith.constant 0 : i32
    %lt3A_52 = vector.broadcast %lt3A : i32 to vector<1x64xi32>
    %lt3A_53 = arith.cmpi slt, %rem3A_49, %lt3A_52 : vector<1x64xi32>
    %lt3A_54 = arith.constant 0 : i32
    %lt3A_55 = arith.cmpi slt, %select_n3A, %lt3A_54 : i32
    %ne3A_56 = vector.broadcast %lt3A_55 : i1 to vector<1x64xi1>
    %ne3A_57 = vector.broadcast %ne3A_56 : vector<1x64xi1> to vector<1x64xi1>
    %ne3A_58 = arith.xori %lt3A_53, %ne3A_57 : vector<1x64xi1>
    %and3A = arith.andi %ne3A_58, %ne3A_51 : vector<1x64xi1>
    %add3A_59 = vector.broadcast %select_n3A : i32 to vector<1x64xi32>
    %add3A_60 = arith.addi %rem3A_49, %add3A_59 : vector<1x64xi32>
    %select_n3A_61 = arith.select %and3A, %add3A_60, %rem3A_49 : vector<1x64xi1>, vector<1x64xi32>
    %eq3A_62 = arith.constant 0 : i32
    %eq3A_63 = vector.broadcast %eq3A_62 : i32 to vector<1x64xi32>
    %eq3A_64 = arith.cmpi eq, %select_n3A_61, %eq3A_63 : vector<1x64xi32>
    %select_n3A_65 = arith.select %eq3A_64, %concatenate3A_43, %concatenate3A_46 : vector<1x64xi1>, vector<1x64xf32>
    %add3A_66 = arith.addf %add3A_28, %select_n3A_65 : vector<1x64xf32>
    %slice3A_67 = vector.extract_strided_slice %add3A_40 {offsets = [0, 1], sizes = [1, 63], strides = [1, 1]} : vector<1x64xf32> to vector<1x63xf32>
    %slice3A_68 = vector.extract_strided_slice %add3A_40 {offsets = [0, 0], sizes = [1, 1], strides = [1, 1]} : vector<1x64xf32> to vector<1x1xf32>
    %concatenate3A_69 = tpu.concatenate %slice3A_67, %slice3A_68 in 1 : vector<1x63xf32>, vector<1x1xf32> -> vector<1x64xf32>
    %slice3A_70 = vector.extract_strided_slice %add3A_40 {offsets = [0, 63], sizes = [1, 1], strides = [1, 1]} : vector<1x64xf32> to vector<1x1xf32>
    %slice3A_71 = vector.extract_strided_slice %add3A_40 {offsets = [0, 0], sizes = [1, 63], strides = [1, 1]} : vector<1x64xf32> to vector<1x63xf32>
    %concatenate3A_72 = tpu.concatenate %slice3A_70, %slice3A_71 in 1 : vector<1x1xf32>, vector<1x63xf32> -> vector<1x64xf32>
    %iota3A_73 = tpu.iota {dimensions = array<i32: 1>} : vector<1x64xi32>
    %jit3A_74 = arith.constant 2 : i32
    %eq3A_75 = arith.constant 0 : i32
    %eq3A_76 = arith.cmpi eq, %jit3A_74, %eq3A_75 : i32
    %jit3A_77 = arith.constant 1 : i32
    %select_n3A_78 = arith.select %eq3A_76, %jit3A_77, %jit3A_74 : i32
    %rem3A_79 = vector.broadcast %select_n3A_78 : i32 to vector<1x64xi32>
    %rem3A_80 = arith.remsi %iota3A_73, %rem3A_79 : vector<1x64xi32>
    %ne3A_81 = arith.constant 0 : i32
    %ne3A_82 = vector.broadcast %ne3A_81 : i32 to vector<1x64xi32>
    %ne3A_83 = arith.cmpi ne, %rem3A_80, %ne3A_82 : vector<1x64xi32>
    %lt3A_84 = arith.constant 0 : i32
    %lt3A_85 = vector.broadcast %lt3A_84 : i32 to vector<1x64xi32>
    %lt3A_86 = arith.cmpi slt, %rem3A_80, %lt3A_85 : vector<1x64xi32>
    %lt3A_87 = arith.constant 0 : i32
    %lt3A_88 = arith.cmpi slt, %select_n3A_78, %lt3A_87 : i32
    %ne3A_89 = vector.broadcast %lt3A_88 : i1 to vector<1x64xi1>
    %ne3A_90 = vector.broadcast %ne3A_89 : vector<1x64xi1> to vector<1x64xi1>
    %ne3A_91 = arith.xori %lt3A_86, %ne3A_90 : vector<1x64xi1>
    %and3A_92 = arith.andi %ne3A_91, %ne3A_83 : vector<1x64xi1>
    %add3A_93 = vector.broadcast %select_n3A_78 : i32 to vector<1x64xi32>
    %add3A_94 = arith.addi %rem3A_80, %add3A_93 : vector<1x64xi32>
    %select_n3A_95 = arith.select %and3A_92, %add3A_94, %rem3A_80 : vector<1x64xi1>, vector<1x64xi32>
    %eq3A_96 = arith.constant 0 : i32
    %eq3A_97 = vector.broadcast %eq3A_96 : i32 to vector<1x64xi32>
    %eq3A_98 = arith.cmpi eq, %select_n3A_95, %eq3A_97 : vector<1x64xi32>
    %select_n3A_99 = arith.select %eq3A_98, %concatenate3A_69, %concatenate3A_72 : vector<1x64xi1>, vector<1x64xf32>
    %add3A_100 = arith.addf %add3A_40, %select_n3A_99 : vector<1x64xf32>
    %div3A = arith.constant 4.096000e+03 : f32
    %div3A_101 = vector.broadcast %div3A : f32 to vector<1x64xf32>
    %div3A_102 = arith.divf %add3A_66, %div3A_101 : vector<1x64xf32>
    %div3A_103 = arith.constant 4.096000e+03 : f32
    %div3A_104 = vector.broadcast %div3A_103 : f32 to vector<1x64xf32>
    %div3A_105 = arith.divf %add3A_100, %div3A_104 : vector<1x64xf32>
    %mul3A_106 = arith.mulf %div3A_102, %div3A_102 : vector<1x64xf32>
    %sub3A = arith.subf %div3A_105, %mul3A_106 : vector<1x64xf32>
    %add3A_107 = arith.constant 9.99999974E-6 : f32
    %add3A_108 = vector.broadcast %add3A_107 : f32 to vector<1x64xf32>
    %add3A_109 = arith.addf %sub3A, %add3A_108 : vector<1x64xf32>
    %rsqrt3A = math.rsqrt %add3A_109 : vector<1x64xf32>
    %mul3A_110 = arith.mulf %get3A_17, %rsqrt3A : vector<1x64xf32>
    %mul3A_111 = arith.mulf %div3A_102, %mul3A_110 : vector<1x64xf32>
    %sub3A_112 = arith.subf %get3A_20, %mul3A_111 : vector<1x64xf32>
    %concatenate3A_113 = tpu.concatenate %mul3A_110, %mul3A_110, %mul3A_110, %mul3A_110, %mul3A_110, %mul3A_110, %mul3A_110, %mul3A_110 in 1 : vector<1x64xf32>, vector<1x64xf32>, vector<1x64xf32>, vector<1x64xf32>, vector<1x64xf32>, vector<1x64xf32>, vector<1x64xf32>, vector<1x64xf32> -> vector<1x512xf32>
    %mul3A_114 = vector.broadcast %concatenate3A_113 : vector<1x512xf32> to vector<256x512xf32>
    %mul3A_115 = arith.mulf %dot_general3A_14, %mul3A_114 : vector<256x512xf32>
    %concatenate3A_116 = tpu.concatenate %sub3A_112, %sub3A_112, %sub3A_112, %sub3A_112, %sub3A_112, %sub3A_112, %sub3A_112, %sub3A_112 in 1 : vector<1x64xf32>, vector<1x64xf32>, vector<1x64xf32>, vector<1x64xf32>, vector<1x64xf32>, vector<1x64xf32>, vector<1x64xf32>, vector<1x64xf32> -> vector<1x512xf32>
    %add3A_117 = vector.broadcast %concatenate3A_116 : vector<1x512xf32> to vector<256x512xf32>
    %add3A_118 = arith.addf %mul3A_115, %add3A_117 : vector<256x512xf32>
    %ge3A = arith.constant 0.000000e+00 : f32
    %ge3A_119 = vector.broadcast %ge3A : f32 to vector<256x512xf32>
    %ge3A_120 = arith.cmpf oge, %add3A_118, %ge3A_119 : vector<256x512xf32>
    %mul3A_121 = arith.constant 2.000000e-01 : f32
    %mul3A_122 = vector.broadcast %mul3A_121 : f32 to vector<256x512xf32>
    %mul3A_123 = arith.mulf %mul3A_122, %add3A_118 : vector<256x512xf32>
    %select_n3A_124 = arith.select %ge3A_120, %add3A_118, %mul3A_123 : vector<256x512xi1>, vector<256x512xf32>
    %swap3A = arith.constant 0 : index
    %swap3A_125 = arith.constant 0 : index
    %swap3A_126 = arith.constant 0 : index
    %swap3A_127 = vector.load %arg6[%swap3A, %swap3A_125, %swap3A_126] : memref<1x256x512xf32, #tpu.memory_space<vmem>>, vector<1x256x512xf32>
    %swap3A_128 = vector.shape_cast %swap3A_127 : vector<1x256x512xf32> to vector<256x512xf32>
    %swap3A_129 = vector.shape_cast %select_n3A_124 : vector<256x512xf32> to vector<1x256x512xf32>
    tpu.vector_store %arg6[%swap3A, %swap3A_125, %swap3A_126], %swap3A_129 {strides = array<i32>} : memref<1x256x512xf32, #tpu.memory_space<vmem>>, vector<1x256x512xf32>,
    return
  }
  func.func @transform_0(%arg0: i32) -> (i32, i32, i32, i32) {
    %c0_i32 = arith.constant 0 : i32
    %c0_i32_0 = arith.constant 0 : i32
    %c0_i32_1 = arith.constant 0 : i32
    %c0_i32_2 = arith.constant 0 : i32
    return %c0_i32, %arg0, %c0_i32_0, %c0_i32_1 : i32, i32, i32, i32
  }
  func.func @transform_1(%arg0: i32) -> (i32, i32, i32, i32) {
    %c1_i32 = arith.constant 1 : i32
    %c0_i32 = arith.constant 0 : i32
    %c0_i32_0 = arith.constant 0 : i32
    %c0_i32_1 = arith.constant 0 : i32
    return %c1_i32, %arg0, %c0_i32, %c0_i32_0 : i32, i32, i32, i32
  }
  func.func @transform_2(%arg0: i32) -> (i32, i32) {
    %c0_i32 = arith.constant 0 : i32
    %c0_i32_0 = arith.constant 0 : i32
    %c0_i32_1 = arith.constant 0 : i32
    return %c0_i32, %c0_i32_0 : i32, i32
  }
  func.func @transform_3(%arg0: i32) -> (i32, i32) {
    %c0_i32 = arith.constant 0 : i32
    %c0_i32_0 = arith.constant 0 : i32
    %c0_i32_1 = arith.constant 0 : i32
    return %c0_i32, %c0_i32_0 : i32, i32
  }
  func.func @transform_4(%arg0: i32) -> (i32, i32) {
    %c0_i32 = arith.constant 0 : i32
    %c0_i32_0 = arith.constant 0 : i32
    %c0_i32_1 = arith.constant 0 : i32
    return %c0_i32, %c0_i32_0 : i32, i32
  }
  func.func @transform_5(%arg0: i32) -> (i32, i32, i32) {
    %c0_i32 = arith.constant 0 : i32
    %c0_i32_0 = arith.constant 0 : i32
    %c0_i32_1 = arith.constant 0 : i32
    return %arg0, %c0_i32, %c0_i32_0 : i32, i32, i32
  }
}

</mosaic_0001>

<sc_bundles>
// kernel: kernel.6.cloned.1.call-start
scs
__scs_entry_jumppad:
0x0: {  	(pc) =	sbr.rel $0x88, $3  }
0x1: {  	(tag) =	ssettag $0x0;
	lr =	simm.s32 $0x1  }
0x2: {  	[smem:$0x3F87] =	sst lr;
	_ =	strace $0xD0000000  }
0x3: {  	_ = 	snop  }
0x4: {  	_ = 	snop  }
0x5: {  	_ = 	snop  }
0x6: {  	_ = 	snop  }
0x7: {  	_ = 	snop  }
__scs_overlays_trampoline_lowered:
0x8: {  	[smem:$0x3F96] =	sst s0  }
0x9: {  	[smem:$0x3F97] =	sst s1  }
0xa: {  	[smem:$0x3F98] =	sst s2  }
0xb: {  	[smem:$0x3F99] =	sst s3  }
0xc: {  	[smem:$0x3F9A] =	sst s4  }
0xd: {  	[smem:$0x3F9B] =	sst s5  }
0xe: {  	[smem:$0x3F9C] =	sst s6  }
0xf: {  	[smem:$0x3F9D] =	sst s7  }
0x10: {  	[smem:$0x3F9E] =	sst s8  }
0x11: {  	[smem:$0x3F9F] =	sst s9;
	s0 =	simm.s32 @!p0 $0x0  }
0x12: {  	s1 =	sld [smem:$0x3F85];
	s0 =	simm.s32 @p0 $0x1  }
0x13: {  	[smem:$0x3FA0] =	sst s0;
	s0 =	simm.s32 @!p1 $0x0  }
0x14: {  	s2 =	sld [smem:$0x3F84];
	s0 =	simm.s32 @p1 $0x1  }
0x15: {  	[smem:$0x3FA1] =	sst s0;
	s0 =	simm.s32 @!p2 $0x0  }
0x16: {  	s3 =	sld [smem:$0x3FDB];
	s0 =	simm.s32 @p2 $0x1  }
0x17: {  	s4 =	simm.s32 $0x1BF5;
	[smem:$0x3FA3] =	sst s0  }
0x18: {  	s0 =	sld [smem:$0x3F86];
	_ =	swait.ge [sflag:s4], $0x0  }
0x19: {  	s7 =	sld [smem:$0x3F87]  }
0x1a: {  	s8 =	sadd.s32 $0xFFFFE003, lr  }
0x1b: {  	s9 =	sadd.s32 $0xFFFFFEF7, lr;
	s5 =	simm.s32 $0xFFFFFFFF;
	p2 =	slt.u32 s8, $0xFFFFF086  }
0x1c: {  	p1 =	slt.u32 s9, $0xF7A;
	s5 =	simm.s32 @!p2 $0x0  }
0x1d: {  	s5 =	simm.s32 @p1 $0x1;
	p0 =	seq.s32 s7, s2  }
0x1e: {  	s7 =	smul.u32 @!p0 $0xF7A, s2;
	p2 =	seq.s32 @!p0 s5, $0x0  }
0x1f: {  	s9 =	smul.u32 $0xF7A, s1;
	s8 =	simm.s32 @!p0 $0x1BF5;
	p2 =	por !p2, p0  }
0x20: {  	[sflag:s8] =	ssyncset.s32 @!p0 $0xFFFFF086;
	s6 =	sadd.s32 @!p0 s3, s7;
	s7 =	simm.s32 @!p0 $0x108  }
0x21: {  	s3 =	sadd.s32 s3, s9;
	s6 =	sadd.s32 @!p0 $0x88, s6;
	s7 =	simm.s32 @p2 $0x1082  }
0x22: {  	[simem:s7], [sflag:s8] =	dma.local @!p0 [hbm:s6], $0xF7A  }
0x23: {  	s9 =	sor.u32 $0xD0000000, s2;
	s6 =	simm.s32 $0x108;
	_ =	swait.ge @!p0 [sflag:s8], $0x0  }
0x24: {  	s3 =	sadd.s32 $0x88, s3;
	s6 =	simm.s32 @!p1 $0x1082;
	[sflag:s4] =	ssyncset.s32 $0xFFFFF086  }
0x25: {  	[simem:s6], [sflag:s4] =	dma.local [hbm:s3], $0xF7A  }
0x26: {  	[smem:$0x3F87] =	sst s1;
	(tag) =	ssettag s2;
	_ =	strace s9  }
0x27: {  	s1 =	sld [smem:$0x3F97]  }
0x28: {  	s2 =	sld [smem:$0x3F98]  }
0x29: {  	s4 =	sld [smem:$0x3F9A]  }
0x2a: {  	p0 =	seq.s32 s5, $0x0;
	s5 =	sld [smem:$0x3F9B]  }
0x2b: {  	s6 =	sld [smem:$0x3F9C]  }
0x2c: {  	s7 =	sld [smem:$0x3F9D]  }
0x2d: {  	s3 =	simm.s32 $0x108;
	s8 =	sld [smem:$0x3F9E]  }
0x2e: {  	s3 =	simm.s32 @!p0 $0x1082;
	s9 =	sld [smem:$0x3F9F]  }
0x2f: {  	lr =	sadd.s32 s0, s3;
	s0 =	sld [smem:$0x3F96]  }
0x30: {  	s3 =	sld [smem:$0x3F99]  }
0x31: {  	[smem:$0x3FA2] =	sst s10  }
0x32: {  	s10 =	sld [smem:$0x3FA0];
	_ =	sdelay $0x3  }
0x33: {  	p0 =	seq.s32 s10, $0x1;
	s10 =	sld [smem:$0x3FA2];
	_ =	sdelay $0x3  }
0x34: {  	[smem:$0x3FA2] =	sst s10  }
0x35: {  	s10 =	sld [smem:$0x3FA1];
	_ =	sdelay $0x3  }
0x36: {  	p1 =	seq.s32 s10, $0x1;
	s10 =	sld [smem:$0x3FA2];
	_ =	sdelay $0x3  }
0x37: {  	[smem:$0x3FA2] =	sst s10  }
0x38: {  	s10 =	sld [smem:$0x3FA3]  }
0x39: {  	_ = 	snop;
	(pc) =	sbr.ind lr, $3  }
0x3a: {  	_ = 	snop  }
0x3b: {  	_ = 	snop  }
0x3c: {  	p2 =	seq.s32 s10, $0x1;
	s10 =	sld [smem:$0x3FA2]  }
0x3d: {  	_ =	shalt  }
0x3e: {  	_ =	shalt  }
0x3f: {  	_ =	shalt  }
0x40: {  	_ =	shalt  }
0x41: {  	_ =	shalt  }
0x42: {  	_ =	shalt  }
0x43: {  	_ =	shalt  }
0x44: {  	_ =	shalt  }
0x45: {  	_ =	shalt  }
0x46: {  	_ =	shalt  }
0x47: {  	_ =	shalt  }
0x48: {  	_ =	shalt  }
0x49: {  	_ =	shalt  }
0x4a: {  	_ =	shalt  }
0x4b: {  	_ =	shalt  }
0x4c: {  	_ =	shalt  }
0x4d: {  	_ =	shalt  }
0x4e: {  	_ =	shalt  }
0x4f: {  	_ =	shalt  }
0x50: {  	_ =	shalt  }
0x51: {  	_ =	shalt  }
0x52: {  	_ =	shalt  }
0x53: {  	_ =	shalt  }
0x54: {  	_ =	shalt  }
0x55: {  	_ =	shalt  }
0x56: {  	_ =	shalt  }
0x57: {  	_ =	shalt  }
0x58: {  	_ =	shalt  }
0x59: {  	_ =	shalt  }
0x5a: {  	_ =	shalt  }
0x5b: {  	_ =	shalt  }
0x5c: {  	_ =	shalt  }
0x5d: {  	_ =	shalt  }
0x5e: {  	_ =	shalt  }
0x5f: {  	_ =	shalt  }
0x60: {  	_ =	shalt  }
0x61: {  	_ =	shalt  }
0x62: {  	_ =	shalt  }
0x63: {  	_ =	shalt  }
0x64: {  	_ =	shalt  }
0x65: {  	_ =	shalt  }
0x66: {  	_ =	shalt  }
0x67: {  	_ =	shalt  }
0x68: {  	_ =	shalt  }
0x69: {  	_ =	shalt  }
0x6a: {  	_ =	shalt  }
0x6b: {  	_ =	shalt  }
0x6c: {  	_ =	shalt  }
0x6d: {  	_ =	shalt  }
0x6e: {  	_ =	shalt  }
0x6f: {  	_ =	shalt  }
0x70: {  	_ =	shalt  }
0x71: {  	_ =	shalt  }
0x72: {  	_ =	shalt  }
0x73: {  	_ =	shalt  }
0x74: {  	_ =	shalt  }
0x75: {  	_ =	shalt  }
0x76: {  	_ =	shalt  }
0x77: {  	_ =	shalt  }
0x78: {  	_ =	shalt  }
0x79: {  	_ =	shalt  }
0x7a: {  	_ =	shalt  }
0x7b: {  	_ =	shalt  }
0x7c: {  	_ =	shalt  }
0x7d: {  	_ =	shalt  }
0x7e: {  	_ =	shalt  }
0x7f: {  	_ =	shalt  }
0x80: {  	_ =	shalt  }
0x81: {  	_ =	shalt  }
0x82: {  	_ =	shalt  }
0x83: {  	_ =	shalt  }
0x84: {  	_ =	shalt  }
0x85: {  	_ =	shalt  }
0x86: {  	_ =	shalt  }
0x87: {  	_ =	shalt  }
.Lfunc_end0:
.L_simem_size_0:
called_computation_lowered:
.L_overlay_start_0:
0x88: {  	s2 =	sld [smem:$0x3FD9]  }
0x89: {  	s3 =	sld [smem:$0x3FFE];
	_ =	sdelay $0x1  }
0x8a: {  	s1 =	srdreg.scid  }
0x8b: {  	s0 =	sand.u32 $0x1, s1  }
0x8c: {  	s17 =	sshll.u32 s0, $0xA;
	s2 =	sadd.s32 s3, s2  }
0x8d: {  	s2 =	sadd.s32 s2, s17  }
0x8e: {  	[smem:$0x3FAE] =	sst s2  }
0x8f: {  	_ = 	snop  }
0x90: {  	s2 =	sld [smem:$0x3FD0];
	(tm) =	ssettm $0x1  }
0x91: {  	s18 =	sld [smem:$0x3FFB];
	_ =	sdelay $0x3  }
0x92: {  	_ =	strace s18  }
0x93: {  	s3 =	sld [smem:$0x3FFC];
	_ =	sdelay $0x3  }
0x94: {  	_ =	strace s3  }
0x95: {  	s3 =	sld [smem:$0x3FFD];
	_ =	sdelay $0x3  }
0x96: {  	_ =	strace s3  }
0x97: {  	_ =	strace $0x8FFFFFFF  }
0x98: {  	s19 =	sld [smem:$0x3FDB];
	_ =	sdelay $0x1  }
0x99: {  	s4 =	simm.s32 $_scs_section_size  }
0x9a: {  	s5 =	simm.s32 $_size__tile_overlayer_lowered;
	s6 =	simm.s32 $_tile_overlayer_lowered  }
0x9b: {  	s22 =	simm.s32 $0x1BFF;
	s21 =	sshll.u32 s6, $0x1;
	s3 =	sadd.s32 s4, s19  }
0x9c: {  	s7 =	simm.s32 $0x0;
	s20 =	sshll.u32 s5, $0x1;
	s5 =	sadd.s32 s21, s3  }
0x9d: {  	[timem:s7], [sflag:s22] =	dma.local [hbm:s5], s20  }
0x9e: {  	_ =	swait.ge [sflag:s22], s20  }
0x9f: {  	s4 =	ssub.s32 $0x0, s20;
	[sflag:s22] =	ssyncset.done $0x0  }
0xa0: {  	[sflag:s22] =	ssyncadd.s32 s4;
	_ =	sdelay $0x1  }
0xa1: {  	s23 =	simm.s32 $0x1B8B  }
0xa2: {  	_ =	swait.ge [sflag:s23], $0x1  }
0xa3: {  	[sflag:s23] =	ssyncset.done $0x0  }
0xa4: {  	s25 =	simm.s32 $0x1B8E;
	s24 =	sld [smem:$0x3FFE];
	[sflag:s23] =	ssyncadd.s32 $0xFFFFFFFF  }
0xa5: {  	s26 =	simm.s32 $execute0_lowered;
	[smem:$0x3FD2] =	sst s25  }
0xa6: {  	s5 =	sshll.u32 s26, $0x1;
	_ =	strace $0x80000046;
	[dreg:$0x1] =	wrdreg $0xFFFFFFFF  }
0xa7: {  	s28 =	simm.s32 $_size_execute0_lowered;
	s3 =	sadd.s32 s3, s5;
	[dreg:$0x0] =	wrdreg $0x0  }
0xa8: {  	s5 =	sshll.u32 s28, $0x1;
	[dreg:$0x2] =	wrdreg s3  }
0xa9: {  	[dreg:$0x3] =	wrdreg s5  }
0xaa: {  	[dreg:$0x4] =	wrdreg $0xC0  }
0xab: {  	_ =	task [dreg:s7], $0x5FFFF  }
0xac: {  	[dreg:$0x1] =	wrdreg $0xFFFFFFFF  }
0xad: {  	[dreg:$0x0] =	wrdreg $0x60  }
0xae: {  	[dreg:$0x2] =	wrdreg s24  }
0xaf: {  	[dreg:$0x3] =	wrdreg s2  }
0xb0: {  	[dreg:$0x4] =	wrdreg $0x9  }
0xb1: {  	_ =	task.clear_ibuf [dreg:s7], $0x5FFFF;
	_ =	strace $0x90000046  }
0xb2: {  	s29 =	simm.s32 $0x9;
	_ =	strace $0x80000048  }
0xb3: {  	_ =	swait.ge [sflag:s29], $0x1  }
0xb4: {  	[sflag:s29] =	ssyncadd.s32 $0xFFFFFFFF  }
0xb5: {  	_ =	strace $0x90000048  }
0xb6: {  	_ =	sfence  }
0xb7: {  	s30 =	sld [smem:$0x0];
	_ =	sdelay $0x2  }
0xb8: {  	s31 =	sshll.u32 s1, $0xD;
	s1 =	sshrl.u32 s1, $0x2  }
0xb9: {  	s3 =	sand.u32 $0x4000, s31;
	s1 =	sadd.s32 s1, s30  }
0xba: {  	s0 =	sor.u32 s3, s0;
	s1 =	sshll.u32 s1, $0x11  }
0xbb: {  	s0 =	sor.u32 s1, s0  }
0xbc: {  	s0 =	sadd.s32 $0x8F2B, s0  }
0xbd: {  	[sflag:s0] =	ssyncadd.remote.s32 $0x1  }
0xbe: {  	_ =	sfence.sel $0xFFFF  }
0xbf: {  	[dreg:$0x0] =	wrdreg $0xFFFFFFFF;
	(pc) =	sbr.abs _section_cstart, $3  }
0xc0: {  	[dreg:$0x1] =	wrdreg $0xFFFFFFFF  }
0xc1: {  	_ =	task.clear_ibuf [dreg:s7], $0x2FFFF;
	_ =	strace $0x9FFFFFFF  }
0xc2: {  	(tm) =	ssettm $0x7FFFFFFF  }
0xc3: {  	_ =	shalt  }
tec
execute0_lowered:
.L_overlay_start_1:
0x0: {  	(tag) =	ssettag $0x1  }
0x1: {  	s4 =	rddreg [dreg:$0x0]  }
0x2: {  	s1 =	srdreg.scid;
	s0 =	stileid.u32  }
0x3: {  	s5 =	rddreg [dreg:$0x1];
	s2 =	simm.s32 $0x0;
	s9 =	simm.s32 $0x5800  }
0x4: {  	s26 =	simm.s32 $0x6000;
	s28 =	simm.s32 $0x6800;
	s29 =	simm.s32 $0x7000  }
0x5: {  	s30 =	simm.s32 $0x7800;
	s31 =	simm.s32 $0x8000;
	s10 =	simm.s32 $0x8800  }
0x6: {  	s11 =	simm.s32 $0x9800;
	s6 =	sand.u32 $0x1, s1;
	s1 =	rddreg [dreg:$0x2]  }
0x7: {  	s12 =	simm.s32 $0xA000;
	s13 =	simm.s32 $0xA800;
	[smem:$0x7FF] =	sst s2  }
0x8: {  	s14 =	simm.s32 $0xB000;
	_ =	strace $0x80000047;
	[dreg:$0x3] =	wrdreg s9  }
0x9: {  	s15 =	simm.s32 $0xB800;
	s16 =	simm.s32 $0xC000;
	[dreg:$0x4] =	wrdreg s26  }
0xa: {  	s17 =	simm.s32 $0xC800;
	s18 =	simm.s32 $0x1;
	[dreg:$0x5] =	wrdreg s28  }
0xb: {  	s19 =	simm.s32 $0x0;
	s3 =	smul.u32 $0xA0000, s0;
	[dreg:$0x6] =	wrdreg s29  }
0xc: {  	s8 =	sshll.u32 s0, $0x1;
	s7 =	smul.u32 $0x50000, s6;
	[dreg:$0x7] =	wrdreg s30  }
0xd: {  	s24 =	ssub.s32 $0x2, s6;
	s6 =	sor.u32 s6, s8;
	[dreg:$0x8] =	wrdreg s31  }
0xe: {  	s9 =	simm.s32 $0x5000;
	[dreg:$0x9] =	wrdreg s10;
	s10 =	simm.s32 $0x9000  }
0xf: {  	s25 =	sshrl.u32 s24, $0x1;
	s6 =	smul.u32 $0xA00, s6;
	s7 =	sadd.s32 s7, s3  }
0x10: {  	s3 =	sadd.s32 $0x43C00, s4;
	s8 =	ssub.s32 s24, s25;
	s7 =	sshrl.u32 s7, $0x3  }
0x11: {  	s7 =	sadd.s32 s7, s4;
	s4 =	sadd.s32 s5, s6;
	s5 =	smax.u32 s8, $0x1  }
0x12: {  	s8 =	simm.s32 $0x80;
	s6 =	sadd.s32 $0x4BC00, s7;
	s7 =	simm.s32 $0x2  }
.LBB2_1:
0x13: {  	[tilespmem:s2], [sflag:$0x2] =	stream.linear.gather [hbm4b:s4+s2], $0x5000, $0x38;
	[tilespmem:$0xD000] =	vst v63  }
0x14: {  	_ =	swait.ge [sflag:s7], $0x5000  }
0x15: {  	[sflag:s7] =	ssyncset.done $0x0  }
0x16: {  	s20 =	simm.s32 $0x0;
	[sflag:s7] =	ssyncadd.s32 $0xFFFFB000  }
0x17: {  	[tilespmem:s9], [sflag:$0x1] =	stream.indirect.gather [hbm4b:s3+s8], $0x10, s20, s8, $0xb8;
	[tilespmem:$0xD000] =	vst v63  }
0x18: {  	s29 =	simm.s32 $0x80;
	s21 =	rddreg [dreg:$0x3]  }
0x19: {  	[tilespmem:s21], [sflag:$0x1] =	stream.indirect.gather [hbm4b:s3+s8], $0x10, s29, s8, $0xb8;
	[tilespmem:$0xD000] =	vst v63  }
0x1a: {  	s31 =	simm.s32 $0x100;
	s22 =	rddreg [dreg:$0x4]  }
0x1b: {  	[tilespmem:s22], [sflag:$0x1] =	stream.indirect.gather [hbm4b:s3+s8], $0x10, s31, s8, $0xb8;
	[tilespmem:$0xD000] =	vst v63  }
0x1c: {  	s23 =	simm.s32 $0x180;
	s30 =	rddreg [dreg:$0x5]  }
0x1d: {  	[tilespmem:s30], [sflag:$0x1] =	stream.indirect.gather [hbm4b:s3+s8], $0x10, s23, s8, $0xb8;
	[tilespmem:$0xD000] =	vst v63  }
0x1e: {  	s26 =	simm.s32 $0x200;
	s24 =	rddreg [dreg:$0x6]  }
0x1f: {  	[tilespmem:s24], [sflag:$0x1] =	stream.indirect.gather [hbm4b:s3+s8], $0x10, s26, s8, $0xb8;
	[tilespmem:$0xD000] =	vst v63  }
0x20: {  	s28 =	simm.s32 $0x280;
	s25 =	rddreg [dreg:$0x7]  }
0x21: {  	[tilespmem:s25], [sflag:$0x1] =	stream.indirect.gather [hbm4b:s3+s8], $0x10, s28, s8, $0xb8;
	[tilespmem:$0xD000] =	vst v63  }
0x22: {  	s29 =	rddreg [dreg:$0x8];
	s30 =	simm.s32 $0x300  }
0x23: {  	[tilespmem:s29], [sflag:$0x1] =	stream.indirect.gather [hbm4b:s3+s8], $0x10, s30, s8, $0xb8;
	[tilespmem:$0xD000] =	vst v63  }
0x24: {  	s31 =	rddreg [dreg:$0x9];
	s22 =	simm.s32 $0x380  }
0x25: {  	[tilespmem:s31], [sflag:$0x1] =	stream.indirect.gather [hbm4b:s3+s8], $0x10, s22, s8, $0xb8;
	[tilespmem:$0xD000] =	vst v63  }
0x26: {  	s23 =	simm.s32 $0x400  }
0x27: {  	[tilespmem:s10], [sflag:$0x1] =	stream.indirect.gather [hbm4b:s3+s8], $0x10, s23, s8, $0xb8;
	[tilespmem:$0xD000] =	vst v63  }
0x28: {  	s24 =	simm.s32 $0x480  }
0x29: {  	[tilespmem:s11], [sflag:$0x1] =	stream.indirect.gather [hbm4b:s3+s8], $0x10, s24, s8, $0xb8;
	[tilespmem:$0xD000] =	vst v63  }
0x2a: {  	s25 =	simm.s32 $0x500  }
0x2b: {  	[tilespmem:s12], [sflag:$0x1] =	stream.indirect.gather [hbm4b:s3+s8], $0x10, s25, s8, $0xb8;
	[tilespmem:$0xD000] =	vst v63  }
0x2c: {  	s26 =	simm.s32 $0x580  }
0x2d: {  	[tilespmem:s13], [sflag:$0x1] =	stream.indirect.gather [hbm4b:s3+s8], $0x10, s26, s8, $0xb8;
	[tilespmem:$0xD000] =	vst v63  }
0x2e: {  	s28 =	simm.s32 $0x600  }
0x2f: {  	[tilespmem:s14], [sflag:$0x1] =	stream.indirect.gather [hbm4b:s3+s8], $0x10, s28, s8, $0xb8;
	[tilespmem:$0xD000] =	vst v63  }
0x30: {  	s29 =	simm.s32 $0x680  }
0x31: {  	[tilespmem:s15], [sflag:$0x1] =	stream.indirect.gather [hbm4b:s3+s8], $0x10, s29, s8, $0xb8;
	[tilespmem:$0xD000] =	vst v63  }
0x32: {  	s30 =	simm.s32 $0x700  }
0x33: {  	[tilespmem:s16], [sflag:$0x1] =	stream.indirect.gather [hbm4b:s3+s8], $0x10, s30, s8, $0xb8;
	[tilespmem:$0xD000] =	vst v63  }
0x34: {  	s31 =	simm.s32 $0x780  }
0x35: {  	[tilespmem:s17], [sflag:$0x1] =	stream.indirect.gather [hbm4b:s3+s8], $0x10, s31, s8, $0xb8;
	[tilespmem:$0xD000] =	vst v63  }
0x36: {  	_ =	swait.ge [sflag:s18], $0x800  }
0x37: {  	[sflag:s18] =	ssyncset.done $0x0  }
0x38: {  	[sflag:s18] =	ssyncadd.s32 $0xFFFFF800  }
0x39: {  	_ =	swait.ge [sflag:s18], $0x800  }
0x3a: {  	[sflag:s18] =	ssyncset.done $0x0  }
0x3b: {  	[sflag:s18] =	ssyncadd.s32 $0xFFFFF800  }
0x3c: {  	_ =	swait.ge [sflag:s18], $0x800  }
0x3d: {  	[sflag:s18] =	ssyncset.done $0x0  }
0x3e: {  	[sflag:s18] =	ssyncadd.s32 $0xFFFFF800  }
0x3f: {  	_ =	swait.ge [sflag:s18], $0x800  }
0x40: {  	[sflag:s18] =	ssyncset.done $0x0  }
0x41: {  	[sflag:s18] =	ssyncadd.s32 $0xFFFFF800  }
0x42: {  	_ =	swait.ge [sflag:s18], $0x800  }
0x43: {  	[sflag:s18] =	ssyncset.done $0x0  }
0x44: {  	[sflag:s18] =	ssyncadd.s32 $0xFFFFF800  }
0x45: {  	_ =	swait.ge [sflag:s18], $0x800  }
0x46: {  	[sflag:s18] =	ssyncset.done $0x0  }
0x47: {  	[sflag:s18] =	ssyncadd.s32 $0xFFFFF800  }
0x48: {  	_ =	swait.ge [sflag:s18], $0x800  }
0x49: {  	[sflag:s18] =	ssyncset.done $0x0  }
0x4a: {  	[sflag:s18] =	ssyncadd.s32 $0xFFFFF800  }
0x4b: {  	_ =	swait.ge [sflag:s18], $0x800  }
0x4c: {  	[sflag:s18] =	ssyncset.done $0x0  }
0x4d: {  	[sflag:s18] =	ssyncadd.s32 $0xFFFFF800  }
0x4e: {  	_ =	swait.ge [sflag:s18], $0x800  }
0x4f: {  	[sflag:s18] =	ssyncset.done $0x0  }
0x50: {  	[sflag:s18] =	ssyncadd.s32 $0xFFFFF800  }
0x51: {  	_ =	swait.ge [sflag:s18], $0x800  }
0x52: {  	[sflag:s18] =	ssyncset.done $0x0  }
0x53: {  	[sflag:s18] =	ssyncadd.s32 $0xFFFFF800  }
0x54: {  	_ =	swait.ge [sflag:s18], $0x800  }
0x55: {  	[sflag:s18] =	ssyncset.done $0x0  }
0x56: {  	[sflag:s18] =	ssyncadd.s32 $0xFFFFF800  }
0x57: {  	_ =	swait.ge [sflag:s18], $0x800  }
0x58: {  	[sflag:s18] =	ssyncset.done $0x0  }
0x59: {  	[sflag:s18] =	ssyncadd.s32 $0xFFFFF800  }
0x5a: {  	_ =	swait.ge [sflag:s18], $0x800  }
0x5b: {  	[sflag:s18] =	ssyncset.done $0x0  }
0x5c: {  	[sflag:s18] =	ssyncadd.s32 $0xFFFFF800  }
0x5d: {  	_ =	swait.ge [sflag:s18], $0x800  }
0x5e: {  	[sflag:s18] =	ssyncset.done $0x0  }
0x5f: {  	[sflag:s18] =	ssyncadd.s32 $0xFFFFF800  }
0x60: {  	_ =	swait.ge [sflag:s18], $0x800  }
0x61: {  	[sflag:s18] =	ssyncset.done $0x0  }
0x62: {  	[sflag:s18] =	ssyncadd.s32 $0xFFFFF800  }
0x63: {  	_ =	swait.ge [sflag:s18], $0x800  }
0x64: {  	[sflag:s18] =	ssyncset.done $0x0  }
0x65: {  	s20 =	sadd.s32 $0x1000, s6;
	[sflag:s18] =	ssyncadd.s32 $0xFFFFF800  }
0x66: {  	[hbm4b:s6+s2] =	stream.linear.scatter [tilespmem:s9], [sflag:$0x2], $0x8000, $0x38;
	[tilespmem:$0xD000] =	vst v63  }
0x67: {  	s21 =	simm.s32 $0x2000;
	s22 =	simm.s32 $0x4000;
	_ =	swait.ge [sflag:s7], $0x8000  }
.LBB2_2:
0x68: {  	[sflag:s7] =	ssyncset.done $0x0  }
0x69: {  	s23 =	sshra.s32 s21, $0x2;
	[sflag:s7] =	ssyncadd.s32 $0xFFFF8000  }
0x6a: {  	[tilespmem:s9], [sflag:$0x1] =	stream.indirect.gather [hbm4b:s3+s8], $0x10, s23, s8, $0xb8;
	[tilespmem:$0xD000] =	vst v63  }
0x6b: {  	s24 =	rddreg [dreg:$0x3];
	s25 =	sadd.s32 $0x80, s23  }
0x6c: {  	[tilespmem:s24], [sflag:$0x1] =	stream.indirect.gather [hbm4b:s3+s8], $0x10, s25, s8, $0xb8;
	[tilespmem:$0xD000] =	vst v63  }
0x6d: {  	s28 =	rddreg [dreg:$0x4];
	s30 =	sadd.s32 $0x100, s23  }
0x6e: {  	[tilespmem:s28], [sflag:$0x1] =	stream.indirect.gather [hbm4b:s3+s8], $0x10, s30, s8, $0xb8;
	[tilespmem:$0xD000] =	vst v63  }
0x6f: {  	s26 =	rddreg [dreg:$0x5];
	s31 =	sadd.s32 $0x180, s23  }
0x70: {  	[tilespmem:s26], [sflag:$0x1] =	stream.indirect.gather [hbm4b:s3+s8], $0x10, s31, s8, $0xb8;
	[tilespmem:$0xD000] =	vst v63  }
0x71: {  	s24 =	sadd.s32 $0x200, s23;
	s30 =	rddreg [dreg:$0x6]  }
0x72: {  	[tilespmem:s30], [sflag:$0x1] =	stream.indirect.gather [hbm4b:s3+s8], $0x10, s24, s8, $0xb8;
	[tilespmem:$0xD000] =	vst v63  }
0x73: {  	s29 =	rddreg [dreg:$0x7];
	s31 =	sadd.s32 $0x280, s23  }
0x74: {  	[tilespmem:s29], [sflag:$0x1] =	stream.indirect.gather [hbm4b:s3+s8], $0x10, s31, s8, $0xb8;
	[tilespmem:$0xD000] =	vst v63  }
0x75: {  	s26 =	rddreg [dreg:$0x8];
	s30 =	sadd.s32 $0x300, s23  }
0x76: {  	[tilespmem:s26], [sflag:$0x1] =	stream.indirect.gather [hbm4b:s3+s8], $0x10, s30, s8, $0xb8;
	[tilespmem:$0xD000] =	vst v63  }
0x77: {  	s31 =	sadd.s32 $0x380, s23;
	s29 =	rddreg [dreg:$0x9]  }
0x78: {  	[tilespmem:s29], [sflag:$0x1] =	stream.indirect.gather [hbm4b:s3+s8], $0x10, s31, s8, $0xb8;
	[tilespmem:$0xD000] =	vst v63  }
0x79: {  	s30 =	sadd.s32 $0x400, s23  }
0x7a: {  	[tilespmem:s10], [sflag:$0x1] =	stream.indirect.gather [hbm4b:s3+s8], $0x10, s30, s8, $0xb8;
	[tilespmem:$0xD000] =	vst v63  }
0x7b: {  	s31 =	sadd.s32 $0x480, s23  }
0x7c: {  	[tilespmem:s11], [sflag:$0x1] =	stream.indirect.gather [hbm4b:s3+s8], $0x10, s31, s8, $0xb8;
	[tilespmem:$0xD000] =	vst v63  }
0x7d: {  	s26 =	sadd.s32 $0x500, s23  }
0x7e: {  	[tilespmem:s12], [sflag:$0x1] =	stream.indirect.gather [hbm4b:s3+s8], $0x10, s26, s8, $0xb8;
	[tilespmem:$0xD000] =	vst v63  }
0x7f: {  	s28 =	sadd.s32 $0x580, s23  }
0x80: {  	[tilespmem:s13], [sflag:$0x1] =	stream.indirect.gather [hbm4b:s3+s8], $0x10, s28, s8, $0xb8;
	[tilespmem:$0xD000] =	vst v63  }
0x81: {  	s29 =	sadd.s32 $0x600, s23  }
0x82: {  	[tilespmem:s14], [sflag:$0x1] =	stream.indirect.gather [hbm4b:s3+s8], $0x10, s29, s8, $0xb8;
	[tilespmem:$0xD000] =	vst v63  }
0x83: {  	s30 =	sadd.s32 $0x680, s23  }
0x84: {  	[tilespmem:s15], [sflag:$0x1] =	stream.indirect.gather [hbm4b:s3+s8], $0x10, s30, s8, $0xb8;
	[tilespmem:$0xD000] =	vst v63  }
0x85: {  	s31 =	sadd.s32 $0x700, s23  }
0x86: {  	[tilespmem:s16], [sflag:$0x1] =	stream.indirect.gather [hbm4b:s3+s8], $0x10, s31, s8, $0xb8;
	[tilespmem:$0xD000] =	vst v63  }
0x87: {  	s23 =	sadd.s32 $0x780, s23  }
0x88: {  	[tilespmem:s17], [sflag:$0x1] =	stream.indirect.gather [hbm4b:s3+s8], $0x10, s23, s8, $0xb8;
	[tilespmem:$0xD000] =	vst v63  }
0x89: {  	_ =	swait.ge [sflag:s18], $0x800  }
0x8a: {  	[sflag:s18] =	ssyncset.done $0x0  }
0x8b: {  	[sflag:s18] =	ssyncadd.s32 $0xFFFFF800  }
0x8c: {  	_ =	swait.ge [sflag:s18], $0x800  }
0x8d: {  	[sflag:s18] =	ssyncset.done $0x0  }
0x8e: {  	[sflag:s18] =	ssyncadd.s32 $0xFFFFF800  }
0x8f: {  	_ =	swait.ge [sflag:s18], $0x800  }
0x90: {  	[sflag:s18] =	ssyncset.done $0x0  }
0x91: {  	[sflag:s18] =	ssyncadd.s32 $0xFFFFF800  }
0x92: {  	_ =	swait.ge [sflag:s18], $0x800  }
0x93: {  	[sflag:s18] =	ssyncset.done $0x0  }
0x94: {  	[sflag:s18] =	ssyncadd.s32 $0xFFFFF800  }
0x95: {  	_ =	swait.ge [sflag:s18], $0x800  }
0x96: {  	[sflag:s18] =	ssyncset.done $0x0  }
0x97: {  	[sflag:s18] =	ssyncadd.s32 $0xFFFFF800  }
0x98: {  	_ =	swait.ge [sflag:s18], $0x800  }
0x99: {  	[sflag:s18] =	ssyncset.done $0x0  }
0x9a: {  	[sflag:s18] =	ssyncadd.s32 $0xFFFFF800  }
0x9b: {  	_ =	swait.ge [sflag:s18], $0x800  }
0x9c: {  	[sflag:s18] =	ssyncset.done $0x0  }
0x9d: {  	[sflag:s18] =	ssyncadd.s32 $0xFFFFF800  }
0x9e: {  	_ =	swait.ge [sflag:s18], $0x800  }
0x9f: {  	[sflag:s18] =	ssyncset.done $0x0  }
0xa0: {  	[sflag:s18] =	ssyncadd.s32 $0xFFFFF800  }
0xa1: {  	_ =	swait.ge [sflag:s18], $0x800  }
0xa2: {  	[sflag:s18] =	ssyncset.done $0x0  }
0xa3: {  	[sflag:s18] =	ssyncadd.s32 $0xFFFFF800  }
0xa4: {  	_ =	swait.ge [sflag:s18], $0x800  }
0xa5: {  	[sflag:s18] =	ssyncset.done $0x0  }
0xa6: {  	[sflag:s18] =	ssyncadd.s32 $0xFFFFF800  }
0xa7: {  	_ =	swait.ge [sflag:s18], $0x800  }
0xa8: {  	[sflag:s18] =	ssyncset.done $0x0  }
0xa9: {  	[sflag:s18] =	ssyncadd.s32 $0xFFFFF800  }
0xaa: {  	_ =	swait.ge [sflag:s18], $0x800  }
0xab: {  	[sflag:s18] =	ssyncset.done $0x0  }
0xac: {  	[sflag:s18] =	ssyncadd.s32 $0xFFFFF800  }
0xad: {  	_ =	swait.ge [sflag:s18], $0x800  }
0xae: {  	[sflag:s18] =	ssyncset.done $0x0  }
0xaf: {  	[sflag:s18] =	ssyncadd.s32 $0xFFFFF800  }
0xb0: {  	_ =	swait.ge [sflag:s18], $0x800  }
0xb1: {  	[sflag:s18] =	ssyncset.done $0x0  }
0xb2: {  	[sflag:s18] =	ssyncadd.s32 $0xFFFFF800  }
0xb3: {  	_ =	swait.ge [sflag:s18], $0x800  }
0xb4: {  	[sflag:s18] =	ssyncset.done $0x0  }
0xb5: {  	p0 =	sne.s32 s22, $0x12000;
	[sflag:s18] =	ssyncadd.s32 $0xFFFFF800  }
.Ltmp0:
0xb6: {  	_ =	swait.ge [sflag:s18], $0x800;
	(pc) =	sbr.rel @p0 .LBB2_2-.Ltmp0, $4  }
0xb7: {  	[sflag:s18] =	ssyncset.done $0x0  }
0xb8: {  	s21 =	smov.u32 s22;
	[sflag:s18] =	ssyncadd.s32 $0xFFFFF800  }
0xb9: {  	[hbm4b:s20+s2] =	stream.linear.scatter [tilespmem:s9], [sflag:$0x2], $0x8000, $0x38;
	[tilespmem:$0xD000] =	vst v63  }
0xba: {  	s22 =	sadd.s32 $0x2000, s22;
	s20 =	sadd.s32 $0x1000, s20;
	_ =	swait.ge [sflag:s7], $0x8000  }
0xbb: {  	[sflag:s7] =	ssyncset.done $0x0  }
0xbc: {  	s21 =	sshra.s32 s21, $0x2;
	[sflag:s7] =	ssyncadd.s32 $0xFFFF8000  }
0xbd: {  	[tilespmem:s9], [sflag:$0x1] =	stream.indirect.gather [hbm4b:s3+s8], $0x10, s21, s8, $0xb8;
	[tilespmem:$0xD000] =	vst v63  }
0xbe: {  	s22 =	rddreg [dreg:$0x3];
	s23 =	sadd.s32 $0x80, s21  }
0xbf: {  	[tilespmem:s22], [sflag:$0x1] =	stream.indirect.gather [hbm4b:s3+s8], $0x10, s23, s8, $0xb8;
	[tilespmem:$0xD000] =	vst v63  }
0xc0: {  	s24 =	rddreg [dreg:$0x4];
	s28 =	sadd.s32 $0x100, s21  }
0xc1: {  	[tilespmem:s24], [sflag:$0x1] =	stream.indirect.gather [hbm4b:s3+s8], $0x10, s28, s8, $0xb8;
	[tilespmem:$0xD000] =	vst v63  }
0xc2: {  	s26 =	rddreg [dreg:$0x5];
	s29 =	sadd.s32 $0x180, s21  }
0xc3: {  	[tilespmem:s26], [sflag:$0x1] =	stream.indirect.gather [hbm4b:s3+s8], $0x10, s29, s8, $0xb8;
	[tilespmem:$0xD000] =	vst v63  }
0xc4: {  	s30 =	rddreg [dreg:$0x6];
	s25 =	sadd.s32 $0x200, s21  }
0xc5: {  	[tilespmem:s30], [sflag:$0x1] =	stream.indirect.gather [hbm4b:s3+s8], $0x10, s25, s8, $0xb8;
	[tilespmem:$0xD000] =	vst v63  }
0xc6: {  	s31 =	rddreg [dreg:$0x7];
	s26 =	sadd.s32 $0x280, s21  }
0xc7: {  	[tilespmem:s31], [sflag:$0x1] =	stream.indirect.gather [hbm4b:s3+s8], $0x10, s26, s8, $0xb8;
	[tilespmem:$0xD000] =	vst v63  }
0xc8: {  	s28 =	rddreg [dreg:$0x8];
	s29 =	sadd.s32 $0x300, s21  }
0xc9: {  	[tilespmem:s28], [sflag:$0x1] =	stream.indirect.gather [hbm4b:s3+s8], $0x10, s29, s8, $0xb8;
	[tilespmem:$0xD000] =	vst v63  }
0xca: {  	s30 =	rddreg [dreg:$0x9];
	s31 =	sadd.s32 $0x380, s21  }
0xcb: {  	[tilespmem:s30], [sflag:$0x1] =	stream.indirect.gather [hbm4b:s3+s8], $0x10, s31, s8, $0xb8;
	[tilespmem:$0xD000] =	vst v63  }
0xcc: {  	s24 =	sadd.s32 $0x400, s21  }
0xcd: {  	[tilespmem:s10], [sflag:$0x1] =	stream.indirect.gather [hbm4b:s3+s8], $0x10, s24, s8, $0xb8;
	[tilespmem:$0xD000] =	vst v63  }
0xce: {  	s25 =	sadd.s32 $0x480, s21  }
0xcf: {  	[tilespmem:s11], [sflag:$0x1] =	stream.indirect.gather [hbm4b:s3+s8], $0x10, s25, s8, $0xb8;
	[tilespmem:$0xD000] =	vst v63  }
0xd0: {  	s26 =	sadd.s32 $0x500, s21  }
0xd1: {  	[tilespmem:s12], [sflag:$0x1] =	stream.indirect.gather [hbm4b:s3+s8], $0x10, s26, s8, $0xb8;
	[tilespmem:$0xD000] =	vst v63  }
0xd2: {  	s28 =	sadd.s32 $0x580, s21  }
0xd3: {  	[tilespmem:s13], [sflag:$0x1] =	stream.indirect.gather [hbm4b:s3+s8], $0x10, s28, s8, $0xb8;
	[tilespmem:$0xD000] =	vst v63  }
0xd4: {  	s29 =	sadd.s32 $0x600, s21  }
0xd5: {  	[tilespmem:s14], [sflag:$0x1] =	stream.indirect.gather [hbm4b:s3+s8], $0x10, s29, s8, $0xb8;
	[tilespmem:$0xD000] =	vst v63  }
0xd6: {  	s30 =	sadd.s32 $0x680, s21  }
0xd7: {  	[tilespmem:s15], [sflag:$0x1] =	stream.indirect.gather [hbm4b:s3+s8], $0x10, s30, s8, $0xb8;
	[tilespmem:$0xD000] =	vst v63  }
0xd8: {  	s31 =	sadd.s32 $0x700, s21  }
0xd9: {  	[tilespmem:s16], [sflag:$0x1] =	stream.indirect.gather [hbm4b:s3+s8], $0x10, s31, s8, $0xb8;
	[tilespmem:$0xD000] =	vst v63  }
0xda: {  	s21 =	sadd.s32 $0x780, s21  }
0xdb: {  	[tilespmem:s17], [sflag:$0x1] =	stream.indirect.gather [hbm4b:s3+s8], $0x10, s21, s8, $0xb8;
	[tilespmem:$0xD000] =	vst v63  }
0xdc: {  	_ =	swait.ge [sflag:s18], $0x800  }
0xdd: {  	[sflag:s18] =	ssyncset.done $0x0  }
0xde: {  	[sflag:s18] =	ssyncadd.s32 $0xFFFFF800  }
0xdf: {  	_ =	swait.ge [sflag:s18], $0x800  }
0xe0: {  	[sflag:s18] =	ssyncset.done $0x0  }
0xe1: {  	[sflag:s18] =	ssyncadd.s32 $0xFFFFF800  }
0xe2: {  	_ =	swait.ge [sflag:s18], $0x800  }
0xe3: {  	[sflag:s18] =	ssyncset.done $0x0  }
0xe4: {  	[sflag:s18] =	ssyncadd.s32 $0xFFFFF800  }
0xe5: {  	_ =	swait.ge [sflag:s18], $0x800  }
0xe6: {  	[sflag:s18] =	ssyncset.done $0x0  }
0xe7: {  	[sflag:s18] =	ssyncadd.s32 $0xFFFFF800  }
0xe8: {  	_ =	swait.ge [sflag:s18], $0x800  }
0xe9: {  	[sflag:s18] =	ssyncset.done $0x0  }
0xea: {  	[sflag:s18] =	ssyncadd.s32 $0xFFFFF800  }
0xeb: {  	_ =	swait.ge [sflag:s18], $0x800  }
0xec: {  	[sflag:s18] =	ssyncset.done $0x0  }
0xed: {  	[sflag:s18] =	ssyncadd.s32 $0xFFFFF800  }
0xee: {  	_ =	swait.ge [sflag:s18], $0x800  }
0xef: {  	[sflag:s18] =	ssyncset.done $0x0  }
0xf0: {  	[sflag:s18] =	ssyncadd.s32 $0xFFFFF800  }
0xf1: {  	_ =	swait.ge [sflag:s18], $0x800  }
0xf2: {  	[sflag:s18] =	ssyncset.done $0x0  }
0xf3: {  	[sflag:s18] =	ssyncadd.s32 $0xFFFFF800  }
0xf4: {  	_ =	swait.ge [sflag:s18], $0x800  }
0xf5: {  	[sflag:s18] =	ssyncset.done $0x0  }
0xf6: {  	[sflag:s18] =	ssyncadd.s32 $0xFFFFF800  }
0xf7: {  	_ =	swait.ge [sflag:s18], $0x800  }
0xf8: {  	[sflag:s18] =	ssyncset.done $0x0  }
0xf9: {  	[sflag:s18] =	ssyncadd.s32 $0xFFFFF800  }
0xfa: {  	_ =	swait.ge [sflag:s18], $0x800  }
0xfb: {  	[sflag:s18] =	ssyncset.done $0x0  }
0xfc: {  	[sflag:s18] =	ssyncadd.s32 $0xFFFFF800  }
0xfd: {  	_ =	swait.ge [sflag:s18], $0x800  }
0xfe: {  	[sflag:s18] =	ssyncset.done $0x0  }
0xff: {  	[sflag:s18] =	ssyncadd.s32 $0xFFFFF800  }
0x100: {  	_ =	swait.ge [sflag:s18], $0x800  }
0x101: {  	[sflag:s18] =	ssyncset.done $0x0  }
0x102: {  	[sflag:s18] =	ssyncadd.s32 $0xFFFFF800  }
0x103: {  	_ =	swait.ge [sflag:s18], $0x800  }
0x104: {  	[sflag:s18] =	ssyncset.done $0x0  }
0x105: {  	[sflag:s18] =	ssyncadd.s32 $0xFFFFF800  }
0x106: {  	_ =	swait.ge [sflag:s18], $0x800  }
0x107: {  	[sflag:s18] =	ssyncset.done $0x0  }
0x108: {  	[sflag:s18] =	ssyncadd.s32 $0xFFFFF800  }
0x109: {  	s19 =	sadd.s32 $0x1, s19;
	_ =	swait.ge [sflag:s18], $0x800  }
0x10a: {  	p0 =	sne.s32 s19, s5;
	[sflag:s18] =	ssyncset.done $0x0  }
.Ltmp1:
0x10b: {  	[sflag:s18] =	ssyncadd.s32 $0xFFFFF800;
	(pc) =	sbr.rel @p0 .LBB2_1-.Ltmp1, $4  }
0x10c: {  	[hbm4b:s20+s2] =	stream.linear.scatter [tilespmem:s9], [sflag:$0x2], $0x8000, $0x38;
	[tilespmem:$0xD000] =	vst v63  }
0x10d: {  	_ =	swait.ge [sflag:s7], $0x8000  }
0x10e: {  	[sflag:s7] =	ssyncset.done $0x0  }
0x10f: {  	[sflag:s7] =	ssyncadd.s32 $0xFFFF8000  }
0x110: {  	_ =	sfence.sel $0x180000  }
0x111: {  	[bflag:$0x0] =	sbarrier.arrive $0xFFFF  }
0x112: {  	p0 =	sne.s32 s0, $0x0;
	_ =	strace $0x90000047  }
0x113: {  	s0 =	sadd.s32 @!p0 $0x100000, s1;
	[bflag:$0x2] =	sbarrier.arrive $0xFFFF  }
0x114: {  	[sflag:s0] =	ssyncadd.tile.s32 @!p0 $0x1;
	_ =	shalt  }
.Lfunc_end2:
_tile_overlayer_lowered:
.L_overlay_start_2:
0x115: {  	(tag) =	ssettag $0x2  }
0x116: {  	s0 =	rddreg [dreg:$0x0];
	s2 =	stileid.u32  }
0x117: {  	s1 =	rddreg [dreg:$0x1];
	p0 =	sne.s32 s2, $0x0  }
0x118: {  	s3 =	rddreg [dreg:$0x2];
	[bflag:$0x3] =	sbarrier.arrive $0xFFFF;
	s2 =	simm.s32 @!p0 $0x1C02  }
0x119: {  	[timem:s3], [sflag:s2] =	dma.local @!p0 [hbm:s0], s1  }
0x11a: {  	s0 =	simm.s32 @!p0 $0x2  }
0x11b: {  	_ =	swait.ge @!p0 [sflag:s0], s1  }
0x11c: {  	s1 =	ssub.s32 @!p0 $0x0, s1;
	[sflag:s0] =	ssyncset.done @!p0 $0x0  }
0x11d: {  	[sflag:s0] =	ssyncadd.s32 @!p0 s1  }
0x11e: {  	[bflag:$0x3] =	sbarrier.arrive $0xFFFF  }
0x11f: {  	_ =	shalt  }

</sc_bundles>
